<compile_context>
chip_gen: v7x
topology: tpu7x:2x2x1
jax: 0.10.2.dev20260603
libtpu: 0.0.44.dev20260713+nightly
codegen_flags: <defaults>
</compile_context>

<pallas_src>
import functools

import jax
import jax.numpy as jnp
from jax import lax
from jax.experimental import pallas as pl
from jax.experimental.pallas import tpu as pltpu
from jax.experimental.pallas import tpu_sc as plsc

N_NODES = 10000
N_EDGES = 320000
NODE_DIM = 128
EDGE_DIM = 16
HIDDEN_DIM = 128

NP = 10240
NC = 2
NS = 16
NW = NC * NS
EPW = N_EDGES // NW
CH = 80
NCH = EPW // CH
RPT = NP // NS
LN = 16


@functools.lru_cache(maxsize=None)
def _sc_mesh():
    return plsc.VectorSubcoreMesh(
        core_axis_name="c", subcore_axis_name="s", num_cores=NC, num_subcores=NS
    )


def _gather_body(y_hbm, idx_hbm, out_hbm, idx_v, rows_a, rows_b, sem_a, sem_b):
    c = lax.axis_index("c")
    s = lax.axis_index("s")
    wid = c * NS + s
    base = wid * EPW
    pltpu.sync_copy(idx_hbm.at[wid], idx_v)

    def wait(buf, sem):
        pltpu.make_async_copy(y_hbm.at[pl.ds(0, CH)], buf, sem).wait()

    pltpu.async_copy(y_hbm.at[idx_v.at[0]], rows_a, sem_a)

    @pl.loop(0, NCH - 1, step=2)
    def _(j):
        pltpu.async_copy(y_hbm.at[idx_v.at[j + 1]], rows_b, sem_b)
        wait(rows_a, sem_a)
        pltpu.sync_copy(rows_a, out_hbm.at[pl.ds(base + j * CH, CH)])
        pltpu.async_copy(y_hbm.at[idx_v.at[j + 2]], rows_a, sem_a)
        wait(rows_b, sem_b)
        pltpu.sync_copy(rows_b, out_hbm.at[pl.ds(base + (j + 1) * CH, CH)])

    wait(rows_a, sem_a)
    pltpu.sync_copy(rows_a, out_hbm.at[pl.ds(base + (NCH - 1) * CH, CH)])


@functools.lru_cache(maxsize=None)
def _gather():
    return pl.kernel(
        _gather_body,
        out_type=jax.ShapeDtypeStruct((N_EDGES, NODE_DIM), jnp.float32),
        mesh=_sc_mesh(),
        scratch_types=[
            pltpu.VMEM((NCH, CH), jnp.int32),
            pltpu.VMEM((CH, NODE_DIM), jnp.float32),
            pltpu.VMEM((CH, NODE_DIM), jnp.float32),
            pltpu.SemaphoreType.DMA,
            pltpu.SemaphoreType.DMA,
        ],
    )


def _scatter_body(msg_hbm, idx_hbm, out_hbm, idx_v, msg_a, msg_b, acc_sh, sem_a, sem_b):
    c = lax.axis_index("c")
    s = lax.axis_index("s")
    wid = c * NS + s
    base = wid * EPW

    def zrow(i, carry):
        def zcol(k, carry2):
            msg_a[i, pl.ds(k * LN, LN)] = jnp.zeros((LN,), jnp.float32)
            return carry2
        return lax.fori_loop(0, NODE_DIM // LN, zcol, carry, unroll=False)

    lax.fori_loop(0, CH, zrow, 0, unroll=False)

    def zslab(t, carry):
        pltpu.sync_copy(msg_a, acc_sh.at[pl.ds(s * RPT + t * CH, CH)])
        return carry

    lax.fori_loop(0, RPT // CH, zslab, 0, unroll=False)
    plsc.subcore_barrier()

    pltpu.sync_copy(idx_hbm.at[wid], idx_v)

    def wait(buf, sem):
        pltpu.make_async_copy(msg_hbm.at[pl.ds(0, CH)], buf, sem).wait()

    def load(j, buf, sem):
        pltpu.async_copy(msg_hbm.at[pl.ds(base + j * CH, CH)], buf, sem)

    load(0, msg_a, sem_a)

    @pl.loop(0, NCH - 1, step=2)
    def _(j):
        load(j + 1, msg_b, sem_b)
        wait(msg_a, sem_a)
        pltpu.sync_copy(msg_a, acc_sh.at[idx_v.at[j]], add=True)
        load(j + 2, msg_a, sem_a)
        wait(msg_b, sem_b)
        pltpu.sync_copy(msg_b, acc_sh.at[idx_v.at[j + 1]], add=True)

    wait(msg_a, sem_a)
    pltpu.sync_copy(msg_a, acc_sh.at[idx_v.at[NCH - 1]], add=True)
    plsc.subcore_barrier()

    def rb(t, carry):
        pltpu.sync_copy(acc_sh.at[pl.ds(s * RPT + t * CH, CH)], msg_a)
        pltpu.sync_copy(msg_a, out_hbm.at[c, pl.ds(s * RPT + t * CH, CH)])
        return carry

    lax.fori_loop(0, RPT // CH, rb, 0, unroll=False)


@functools.lru_cache(maxsize=None)
def _scatter():
    return pl.kernel(
        _scatter_body,
        out_type=jax.ShapeDtypeStruct((NC, NP, NODE_DIM), jnp.float32),
        mesh=_sc_mesh(),
        scratch_types=[
            pltpu.VMEM((NCH, CH), jnp.int32),
            pltpu.VMEM((CH, NODE_DIM), jnp.float32),
            pltpu.VMEM((CH, NODE_DIM), jnp.float32),
            pltpu.VMEM_SHARED((NP, NODE_DIM), jnp.float32),
            pltpu.SemaphoreType.DMA,
            pltpu.SemaphoreType.DMA,
        ],
    )


def _matmul_bias_body(x_ref, w_ref, b_ref, o_ref):
    o_ref[...] = (
        jnp.dot(x_ref[...], w_ref[...], preferred_element_type=jnp.float32)
        + b_ref[...]
    )


def _matmul_bias(x, w, b, bm):
    n, k = x.shape
    _, m = w.shape
    full = lambda shape: pl.BlockSpec(shape, lambda i: (0, 0))
    return pl.pallas_call(
        _matmul_bias_body,
        grid=(n // bm,),
        in_specs=[
            pl.BlockSpec((bm, k), lambda i: (i, 0)),
            full((k, m)),
            full((1, m)),
        ],
        out_specs=pl.BlockSpec((bm, m), lambda i: (i, 0)),
        out_shape=jax.ShapeDtypeStruct((n, m), jnp.float32),
        compiler_params=pltpu.CompilerParams(
            dimension_semantics=("arbitrary",),
        ),
    )(x, w, b)


BE = 8000


def _edge_h_body(g_ref, e_ref, w1b_ref, b1_ref, o_ref):
    h = jnp.dot(e_ref[...], w1b_ref[...], preferred_element_type=jnp.float32)
    o_ref[...] = jnp.maximum(g_ref[...] + h + b1_ref[...], 0.0)


def _edge_h(gathered, edge_features, w1b, b1):
    full = lambda shape: pl.BlockSpec(shape, lambda i: (0, 0))
    return pl.pallas_call(
        _edge_h_body,
        grid=(N_EDGES // BE,),
        in_specs=[
            pl.BlockSpec((BE, NODE_DIM), lambda i: (i, 0)),
            pl.BlockSpec((BE, EDGE_DIM), lambda i: (i, 0)),
            full((EDGE_DIM, HIDDEN_DIM)),
            full((1, HIDDEN_DIM)),
        ],
        out_specs=pl.BlockSpec((BE, HIDDEN_DIM), lambda i: (i, 0)),
        out_shape=jax.ShapeDtypeStruct((N_EDGES, HIDDEN_DIM), jnp.float32),
        compiler_params=pltpu.CompilerParams(
            dimension_semantics=("arbitrary",),
        ),
    )(gathered, edge_features, w1b, b1)


BN = 2000


def _update_body(nf_ref, p_ref, w2_ref, w1a_ref, w1b_ref, b1_ref, w3_ref, b3_ref, o_ref):
    agg = jnp.dot(
        p_ref[0] + p_ref[1], w2_ref[...], preferred_element_type=jnp.float32
    )
    h = jnp.dot(nf_ref[...], w1a_ref[...], preferred_element_type=jnp.float32)
    h = h + jnp.dot(agg, w1b_ref[...], preferred_element_type=jnp.float32)
    h = jnp.maximum(h + b1_ref[...], 0.0)
    o_ref[...] = jnp.dot(h, w3_ref[...], preferred_element_type=jnp.float32) + b3_ref[...]


def _update_mlp(nf, partials, mW2, w1a, w1b, b1, w2, b2):
    full = lambda shape: pl.BlockSpec(shape, lambda i: tuple(0 for _ in shape))
    return pl.pallas_call(
        _update_body,
        grid=(N_NODES // BN,),
        in_specs=[
            pl.BlockSpec((BN, NODE_DIM), lambda i: (i, 0)),
            pl.BlockSpec((NC, BN, NODE_DIM), lambda i: (0, i, 0)),
            full((HIDDEN_DIM, HIDDEN_DIM)),
            full((NODE_DIM, HIDDEN_DIM)),
            full((HIDDEN_DIM, HIDDEN_DIM)),
            full((1, HIDDEN_DIM)),
            full((HIDDEN_DIM, NODE_DIM)),
            full((1, NODE_DIM)),
        ],
        out_specs=pl.BlockSpec((BN, NODE_DIM), lambda i: (i, 0)),
        out_shape=jax.ShapeDtypeStruct((N_NODES, NODE_DIM), jnp.float32),
        compiler_params=pltpu.CompilerParams(
            dimension_semantics=("arbitrary",),
        ),
    )(nf, partials, mW2, w1a, w1b, b1, w2, b2)


@jax.jit
def kernel(node_features, edge_index, edge_features, mW1, mb1, mW2, mb2, uW1, ub1, uW2, ub2):
    src = edge_index[0].astype(jnp.int32).reshape(NW, NCH, CH)
    dst = edge_index[1].astype(jnp.int32).reshape(NW, NCH, CH)
    zero_h = jnp.zeros((1, HIDDEN_DIM), jnp.float32)
    y = _matmul_bias(node_features, mW1[:NODE_DIM], zero_h, BN)
    yg = _gather()(y, src)
    h = _edge_h(yg, edge_features, mW1[NODE_DIM:], mb1.reshape(1, HIDDEN_DIM))
    partials = _scatter()(h, dst)

    return _update_mlp(
        node_features, partials, mW2,
        uW1[:NODE_DIM], uW1[NODE_DIM:],
        ub1.reshape(1, HIDDEN_DIM), uW2, ub2.reshape(1, NODE_DIM),
    )

# --- scband reference (transcript-rebuilt; emitter-appended) ---
"""Pipeline reference for scband-message-passing-layer-61710090109382 (READ-ONLY COPY).

The authoritative reference and input builder live on the scoring server;
editing this copy changes nothing except your own understanding.
"""

import jax, jax.numpy as jnp
import numpy as np

N_NODES = 10000
N_EDGES = 320000
NODE_DIM = 128
EDGE_DIM = 16
HIDDEN_DIM = 128


def setup_inputs(seed: int = 0) -> dict:
    key = jax.random.key(seed)
    ks = jax.random.split(key, 12)
    node_features = jax.random.normal(ks[0], (N_NODES, NODE_DIM), dtype=jnp.float32)
    edge_index = jax.random.randint(ks[1], (2, N_EDGES), 0, N_NODES, dtype=jnp.int64)
    edge_features = jax.random.normal(ks[2], (N_EDGES, EDGE_DIM), dtype=jnp.float32)
    # message_mlp params: Linear(node_dim+edge_dim -> hidden), Linear(hidden -> hidden)
    mW1 = jax.random.normal(ks[3], (NODE_DIM + EDGE_DIM, HIDDEN_DIM), dtype=jnp.float32) * (1.0 / np.sqrt(NODE_DIM + EDGE_DIM))
    mb1 = jnp.zeros((HIDDEN_DIM,), dtype=jnp.float32)
    mW2 = jax.random.normal(ks[4], (HIDDEN_DIM, HIDDEN_DIM), dtype=jnp.float32) * (1.0 / np.sqrt(HIDDEN_DIM))
    mb2 = jnp.zeros((HIDDEN_DIM,), dtype=jnp.float32)
    # update_mlp params: Linear(node_dim+hidden -> hidden), Linear(hidden -> node_dim)
    uW1 = jax.random.normal(ks[5], (NODE_DIM + HIDDEN_DIM, HIDDEN_DIM), dtype=jnp.float32) * (1.0 / np.sqrt(NODE_DIM + HIDDEN_DIM))
    ub1 = jnp.zeros((HIDDEN_DIM,), dtype=jnp.float32)
    uW2 = jax.random.normal(ks[6], (HIDDEN_DIM, NODE_DIM), dtype=jnp.float32) * (1.0 / np.sqrt(HIDDEN_DIM))
    ub2 = jnp.zeros((NODE_DIM,), dtype=jnp.float32)
    return {
        "node_features": node_features,
        "edge_index": edge_index,
        "edge_features": edge_features,
        "mW1": mW1, "mb1": mb1, "mW2": mW2, "mb2": mb2,
        "uW1": uW1, "ub1": ub1, "uW2": uW2, "ub2": ub2,
    }


def reference(node_features, edge_index, edge_features, mW1, mb1, mW2, mb2, uW1, ub1, uW2, ub2):
    src = edge_index[0]
    dst = edge_index[1]
    src_features = jnp.take(node_features, src, axis=0)
    msg_input = jnp.concatenate([src_features, edge_features], axis=-1)
    h = jnp.maximum(msg_input @ mW1 + mb1, 0.0)
    messages = h @ mW2 + mb2
    aggregated = jnp.zeros((node_features.shape[0], messages.shape[1]), dtype=messages.dtype).at[dst].add(messages)
    update_input = jnp.concatenate([node_features, aggregated], axis=-1)
    h2 = jnp.maximum(update_input @ uW1 + ub1, 0.0)
    new_node_features = h2 @ uW2 + ub2
    return new_node_features

if __name__ == "__main__":
    import jax
    _d = setup_inputs()
    print(jax.jit(kernel)(*tuple(_d.values())))

</pallas_src>

<mosaic_0001>
#map = affine_map<(d0, d1) -> (0, 0)>
#map1 = affine_map<(d0, d1) -> (0, 0, 0)>
module attributes {stable_mosaic.version = 14 : i64} {
  func.func @_scatter_body(%arg0: i32, %arg1: i32, %arg2: memref<320000x128xf32, #tpu.memory_space<hbm>>, %arg3: memref<32x125x80xi32, #tpu.memory_space<hbm>>, %arg4: memref<2x10240x128xf32, #tpu.memory_space<hbm>>, %arg5: memref<125x80xi32, #tpu.memory_space<vmem>>, %arg6: memref<80x128xf32, #tpu.memory_space<vmem>>, %arg7: memref<80x128xf32, #tpu.memory_space<vmem>>, %arg8: memref<10240x128xf32, #tpu.memory_space<vmem_shared>>, %arg9: memref<!tpu.dma_semaphore, #tpu.memory_space<semaphore_mem>>, %arg10: memref<!tpu.dma_semaphore, #tpu.memory_space<semaphore_mem>>) attributes {dimension_semantics = [#tpu.dimension_semantics<core_parallel>, #tpu.dimension_semantics<subcore_parallel>], iteration_bounds = array<i64: 2, 16>, scalar_prefetch = 0 : i64, scratch_operands = 6 : i64, tpu.core_type = #tpu.core_type<sc_vector_subcore>, window_params = [{transform_indices = #map}, {transform_indices = #map1}, {transform_indices = #map1}]} {
    %mul3A = arith.constant 16 : i32
    %mul3A_0 = arith.muli %arg0, %mul3A : i32
    %add3A = arith.addi %mul3A_0, %arg1 : i32
    %mul3A_1 = arith.constant 10000 : i32
    %mul3A_2 = arith.muli %add3A, %mul3A_1 : i32
    %scan3A = arith.constant 0 : i32
    %scan3A_3 = arith.constant 0 : i32
    %scan3A_4 = arith.constant 80 : i32
    %scan3A_5 = arith.addi %scan3A_3, %scan3A_4 : i32
    %scan3A_6 = arith.constant 1 : i32
    scf.for %scan3A_36 = %scan3A_3 to %scan3A_5 step %scan3A_6  : i32 {
      %scan3A_37 = arith.constant 0 : i32
      %scan3A_38 = arith.constant 8 : i32
      %scan3A_39 = arith.addi %scan3A_37, %scan3A_38 : i32
      %scan3A_40 = arith.constant 1 : i32
      scf.for %scan3A_42 = %scan3A_37 to %scan3A_39 step %scan3A_40  : i32 {
        %broadcast_in_dim3A = arith.constant 0.000000e+00 : f32
        %broadcast_in_dim3A_43 = vector.broadcast %broadcast_in_dim3A : f32 to vector<16xf32>
        %mul3A_44 = arith.constant 16 : i32
        %mul3A_45 = arith.muli %scan3A_42, %mul3A_44 : i32
        %swap3A = arith.index_cast %scan3A_36 : i32 to index
        %swap3A_46 = arith.index_cast %mul3A_45 : i32 to index
        %swap3A_47 = tpu.vector_load %arg6[%swap3A, %swap3A_46] {strides = array<i32>} : memref<80x128xf32, #tpu.memory_space<vmem>>, vector<1x16xf32>,
        %swap3A_48 = vector.shape_cast %swap3A_47 : vector<1x16xf32> to vector<16xf32>
        %swap3A_49 = vector.shape_cast %broadcast_in_dim3A_43 : vector<16xf32> to vector<1x16xf32>
        tpu.vector_store %arg6[%swap3A, %swap3A_46], %swap3A_49 {strides = array<i32>} : memref<80x128xf32, #tpu.memory_space<vmem>>, vector<1x16xf32>,
      }
      %scan3A_41 = arith.constant 8 : i32
    }
    %scan3A_7 = arith.constant 80 : i32
    %scan3A_8 = arith.constant 0 : i32
    %scan3A_9 = arith.constant 0 : i32
    %scan3A_10 = arith.constant 8 : i32
    %scan3A_11 = arith.addi %scan3A_9, %scan3A_10 : i32
    %scan3A_12 = arith.constant 1 : i32
    scf.for %scan3A_36 = %scan3A_9 to %scan3A_11 step %scan3A_12  : i32 {
      %mul3A_37 = arith.constant 640 : i32
      %mul3A_38 = arith.muli %arg1, %mul3A_37 : i32
      %mul3A_39 = arith.constant 80 : i32
      %mul3A_40 = arith.muli %scan3A_36, %mul3A_39 : i32
      %add3A_41 = arith.addi %mul3A_38, %mul3A_40 : i32
      "tpu.region"() ({
        %run_scoped3A_42 = tpu.sem_alloc : memref<!tpu.dma_semaphore, #tpu.memory_space<semaphore_mem>>
        %dma_start3A_43 = arith.constant 0 : i32
        %dma_start3A_44 = tpu.memref_slice %arg8[%add3A_41, %dma_start3A_43] : memref<10240x128xf32, #tpu.memory_space<vmem_shared>> -> memref<80x128xf32, #tpu.memory_space<vmem_shared>>
        %dma_start3A_45 = arith.constant 0 : i32
        %dma_start3A_46 = tpu.memref_slice %arg8[%add3A_41, %dma_start3A_45] : memref<10240x128xf32, #tpu.memory_space<vmem_shared>> -> memref<80x128xf32, #tpu.memory_space<vmem_shared>>
        tpu.enqueue_dma source(%arg6 : memref<80x128xf32, #tpu.memory_space<vmem>>) target(%dma_start3A_46 : memref<80x128xf32, #tpu.memory_space<vmem_shared>>) target_semaphore(%run_scoped3A_42 : memref<!tpu.dma_semaphore, #tpu.memory_space<semaphore_mem>>)
        %dma_wait3A_47 = arith.constant 0 : i32
        %dma_wait3A_48 = tpu.memref_slice %arg8[%add3A_41, %dma_wait3A_47] : memref<10240x128xf32, #tpu.memory_space<vmem_shared>> -> memref<80x128xf32, #tpu.memory_space<vmem_shared>>
        %dma_wait3A_49 = arith.constant 0 : i32
        %dma_wait3A_50 = tpu.memref_slice %arg8[%add3A_41, %dma_wait3A_49] : memref<10240x128xf32, #tpu.memory_space<vmem_shared>> -> memref<80x128xf32, #tpu.memory_space<vmem_shared>>
        tpu.wait_dma2 semaphore(%run_scoped3A_42 : memref<!tpu.dma_semaphore, #tpu.memory_space<semaphore_mem>>) src(%arg6 : memref<80x128xf32, #tpu.memory_space<vmem>>) dst(%dma_wait3A_50 : memref<80x128xf32, #tpu.memory_space<vmem_shared>>)
        tpu.yield
      }) : () -> ()
    }
    %scan3A_13 = arith.constant 8 : i32
    %barrier3A = arith.constant 0 : index
    tpu.barrier barrier_id(%barrier3A)
    "tpu.region"() ({
      %run_scoped3A_36 = tpu.sem_alloc : memref<!tpu.dma_semaphore, #tpu.memory_space<semaphore_mem>>
      %dma_start3A_37 = arith.constant 0 : i32
      %dma_start3A_38 = arith.constant 0 : i32
      %dma_start3A_39 = tpu.memref_slice %arg3[%add3A, %dma_start3A_37, %dma_start3A_38] : memref<32x125x80xi32, #tpu.memory_space<hbm>> -> memref<1x125x80xi32, #tpu.memory_space<hbm>>
      %dma_start3A_40 = tpu.memref_squeeze %dma_start3A_39 : memref<1x125x80xi32, #tpu.memory_space<hbm>> -> memref<125x80xi32, #tpu.memory_space<hbm>>
      %dma_start3A_41 = arith.constant 0 : i32
      %dma_start3A_42 = arith.constant 0 : i32
      %dma_start3A_43 = tpu.memref_slice %arg3[%add3A, %dma_start3A_41, %dma_start3A_42] : memref<32x125x80xi32, #tpu.memory_space<hbm>> -> memref<1x125x80xi32, #tpu.memory_space<hbm>>
      %dma_start3A_44 = tpu.memref_squeeze %dma_start3A_43 : memref<1x125x80xi32, #tpu.memory_space<hbm>> -> memref<125x80xi32, #tpu.memory_space<hbm>>
      tpu.enqueue_dma source(%dma_start3A_44 : memref<125x80xi32, #tpu.memory_space<hbm>>) target(%arg5 : memref<125x80xi32, #tpu.memory_space<vmem>>) target_semaphore(%run_scoped3A_36 : memref<!tpu.dma_semaphore, #tpu.memory_space<semaphore_mem>>)
      %dma_wait3A_45 = arith.constant 0 : i32
      %dma_wait3A_46 = arith.constant 0 : i32
      %dma_wait3A_47 = tpu.memref_slice %arg3[%add3A, %dma_wait3A_45, %dma_wait3A_46] : memref<32x125x80xi32, #tpu.memory_space<hbm>> -> memref<1x125x80xi32, #tpu.memory_space<hbm>>
      %dma_wait3A_48 = tpu.memref_squeeze %dma_wait3A_47 : memref<1x125x80xi32, #tpu.memory_space<hbm>> -> memref<125x80xi32, #tpu.memory_space<hbm>>
      %dma_wait3A_49 = arith.constant 0 : i32
      %dma_wait3A_50 = arith.constant 0 : i32
      %dma_wait3A_51 = tpu.memref_slice %arg3[%add3A, %dma_wait3A_49, %dma_wait3A_50] : memref<32x125x80xi32, #tpu.memory_space<hbm>> -> memref<1x125x80xi32, #tpu.memory_space<hbm>>
      %dma_wait3A_52 = tpu.memref_squeeze %dma_wait3A_51 : memref<1x125x80xi32, #tpu.memory_space<hbm>> -> memref<125x80xi32, #tpu.memory_space<hbm>>
      tpu.wait_dma2 semaphore(%run_scoped3A_36 : memref<!tpu.dma_semaphore, #tpu.memory_space<semaphore_mem>>) src(%dma_wait3A_52 : memref<125x80xi32, #tpu.memory_space<hbm>>) dst(%arg5 : memref<125x80xi32, #tpu.memory_space<vmem>>)
      tpu.yield
    }) : () -> ()
    %add3A_14 = arith.constant 0 : i32
    %add3A_15 = arith.addi %mul3A_2, %add3A_14 : i32
    %dma_start3A = arith.constant 0 : i32
    %dma_start3A_16 = tpu.memref_slice %arg2[%add3A_15, %dma_start3A] : memref<320000x128xf32, #tpu.memory_space<hbm>> -> memref<80x128xf32, #tpu.memory_space<hbm>>
    %dma_start3A_17 = arith.constant 0 : i32
    %dma_start3A_18 = tpu.memref_slice %arg2[%add3A_15, %dma_start3A_17] : memref<320000x128xf32, #tpu.memory_space<hbm>> -> memref<80x128xf32, #tpu.memory_space<hbm>>
    tpu.enqueue_dma source(%dma_start3A_18 : memref<80x128xf32, #tpu.memory_space<hbm>>) target(%arg6 : memref<80x128xf32, #tpu.memory_space<vmem>>) target_semaphore(%arg9 : memref<!tpu.dma_semaphore, #tpu.memory_space<semaphore_mem>>)
    %scan3A_19 = arith.constant 0 : i32
    %scan3A_20 = arith.constant 62 : i32
    %scan3A_21 = arith.addi %scan3A_19, %scan3A_20 : i32
    %scan3A_22 = arith.constant 1 : i32
    scf.for %scan3A_36 = %scan3A_19 to %scan3A_21 step %scan3A_22  : i32 {
      %mul3A_37 = arith.constant 2 : i32
      %mul3A_38 = arith.muli %scan3A_36, %mul3A_37 : i32
      %add3A_39 = arith.constant 0 : i32
      %add3A_40 = arith.addi %add3A_39, %mul3A_38 : i32
      %add3A_41 = arith.constant 1 : i32
      %add3A_42 = arith.addi %add3A_40, %add3A_41 : i32
      %mul3A_43 = arith.constant 80 : i32
      %mul3A_44 = arith.muli %add3A_42, %mul3A_43 : i32
      %add3A_45 = arith.addi %mul3A_2, %mul3A_44 : i32
      %dma_start3A_46 = arith.constant 0 : i32
      %dma_start3A_47 = tpu.memref_slice %arg2[%add3A_45, %dma_start3A_46] : memref<320000x128xf32, #tpu.memory_space<hbm>> -> memref<80x128xf32, #tpu.memory_space<hbm>>
      %dma_start3A_48 = arith.constant 0 : i32
      %dma_start3A_49 = tpu.memref_slice %arg2[%add3A_45, %dma_start3A_48] : memref<320000x128xf32, #tpu.memory_space<hbm>> -> memref<80x128xf32, #tpu.memory_space<hbm>>
      tpu.enqueue_dma source(%dma_start3A_49 : memref<80x128xf32, #tpu.memory_space<hbm>>) target(%arg7 : memref<80x128xf32, #tpu.memory_space<vmem>>) target_semaphore(%arg10 : memref<!tpu.dma_semaphore, #tpu.memory_space<semaphore_mem>>)
      %dma_wait3A_50 = arith.constant 0 : i32
      %dma_wait3A_51 = arith.constant 0 : i32
      %dma_wait3A_52 = tpu.memref_slice %arg2[%dma_wait3A_50, %dma_wait3A_51] : memref<320000x128xf32, #tpu.memory_space<hbm>> -> memref<80x128xf32, #tpu.memory_space<hbm>>
      %dma_wait3A_53 = arith.constant 0 : i32
      %dma_wait3A_54 = arith.constant 0 : i32
      %dma_wait3A_55 = tpu.memref_slice %arg2[%dma_wait3A_53, %dma_wait3A_54] : memref<320000x128xf32, #tpu.memory_space<hbm>> -> memref<80x128xf32, #tpu.memory_space<hbm>>
      tpu.wait_dma2 semaphore(%arg9 : memref<!tpu.dma_semaphore, #tpu.memory_space<semaphore_mem>>) src(%dma_wait3A_55 : memref<80x128xf32, #tpu.memory_space<hbm>>) dst(%arg6 : memref<80x128xf32, #tpu.memory_space<vmem>>)
      "tpu.region"() ({
        %run_scoped3A_73 = tpu.sem_alloc : memref<!tpu.dma_semaphore, #tpu.memory_space<semaphore_mem>>
        %dma_start3A_74 = arith.constant 0 : i32
        %dma_start3A_75 = tpu.memref_slice %arg5[%add3A_40, %dma_start3A_74] : memref<125x80xi32, #tpu.memory_space<vmem>> -> memref<1x80xi32, #tpu.memory_space<vmem>>
        %dma_start3A_76 = tpu.memref_squeeze %dma_start3A_75 : memref<1x80xi32, #tpu.memory_space<vmem>> -> memref<80xi32, #tpu.memory_space<vmem>>
        %dma_start3A_77 = arith.constant 0 : i32
        %dma_start3A_78 = arith.constant 0 : i32
        %dma_start3A_79 = tpu.memref_slice %arg8[%dma_start3A_77, %dma_start3A_78] : memref<10240x128xf32, #tpu.memory_space<vmem_shared>> -> memref<10240x128xf32, #tpu.memory_space<vmem_shared>>
        tpu.enqueue_indirect_dma source(%arg6 : memref<80x128xf32, #tpu.memory_space<vmem>>) target(%dma_start3A_79 : memref<10240x128xf32, #tpu.memory_space<vmem_shared>>) offsets(%dma_start3A_76 : memref<80xi32, #tpu.memory_space<vmem>>) semaphore(%run_scoped3A_73 : memref<!tpu.dma_semaphore, #tpu.memory_space<semaphore_mem>>) {add = true}
        %dma_wait3A_80 = arith.constant 0 : i32
        %dma_wait3A_81 = tpu.memref_slice %arg5[%add3A_40, %dma_wait3A_80] : memref<125x80xi32, #tpu.memory_space<vmem>> -> memref<1x80xi32, #tpu.memory_space<vmem>>
        %dma_wait3A_82 = tpu.memref_squeeze %dma_wait3A_81 : memref<1x80xi32, #tpu.memory_space<vmem>> -> memref<80xi32, #tpu.memory_space<vmem>>
        %dma_wait3A_83 = arith.constant 0 : i32
        %dma_wait3A_84 = arith.constant 0 : i32
        %dma_wait3A_85 = tpu.memref_slice %arg8[%dma_wait3A_83, %dma_wait3A_84] : memref<10240x128xf32, #tpu.memory_space<vmem_shared>> -> memref<10240x128xf32, #tpu.memory_space<vmem_shared>>
        tpu.wait_indirect_dma semaphore(%run_scoped3A_73 : memref<!tpu.dma_semaphore, #tpu.memory_space<semaphore_mem>>) src(%arg6 : memref<80x128xf32, #tpu.memory_space<vmem>>) dst(%dma_wait3A_85 : memref<10240x128xf32, #tpu.memory_space<vmem_shared>>)
        tpu.yield
      }) : () -> ()
      %add3A_56 = arith.constant 2 : i32
      %add3A_57 = arith.addi %add3A_40, %add3A_56 : i32
      %mul3A_58 = arith.constant 80 : i32
      %mul3A_59 = arith.muli %add3A_57, %mul3A_58 : i32
      %add3A_60 = arith.addi %mul3A_2, %mul3A_59 : i32
      %dma_start3A_61 = arith.constant 0 : i32
      %dma_start3A_62 = tpu.memref_slice %arg2[%add3A_60, %dma_start3A_61] : memref<320000x128xf32, #tpu.memory_space<hbm>> -> memref<80x128xf32, #tpu.memory_space<hbm>>
      %dma_start3A_63 = arith.constant 0 : i32
      %dma_start3A_64 = tpu.memref_slice %arg2[%add3A_60, %dma_start3A_63] : memref<320000x128xf32, #tpu.memory_space<hbm>> -> memref<80x128xf32, #tpu.memory_space<hbm>>
      tpu.enqueue_dma source(%dma_start3A_64 : memref<80x128xf32, #tpu.memory_space<hbm>>) target(%arg6 : memref<80x128xf32, #tpu.memory_space<vmem>>) target_semaphore(%arg9 : memref<!tpu.dma_semaphore, #tpu.memory_space<semaphore_mem>>)
      %dma_wait3A_65 = arith.constant 0 : i32
      %dma_wait3A_66 = arith.constant 0 : i32
      %dma_wait3A_67 = tpu.memref_slice %arg2[%dma_wait3A_65, %dma_wait3A_66] : memref<320000x128xf32, #tpu.memory_space<hbm>> -> memref<80x128xf32, #tpu.memory_space<hbm>>
      %dma_wait3A_68 = arith.constant 0 : i32
      %dma_wait3A_69 = arith.constant 0 : i32
      %dma_wait3A_70 = tpu.memref_slice %arg2[%dma_wait3A_68, %dma_wait3A_69] : memref<320000x128xf32, #tpu.memory_space<hbm>> -> memref<80x128xf32, #tpu.memory_space<hbm>>
      tpu.wait_dma2 semaphore(%arg10 : memref<!tpu.dma_semaphore, #tpu.memory_space<semaphore_mem>>) src(%dma_wait3A_70 : memref<80x128xf32, #tpu.memory_space<hbm>>) dst(%arg7 : memref<80x128xf32, #tpu.memory_space<vmem>>)
      %add3A_71 = arith.constant 1 : i32
      %add3A_72 = arith.addi %add3A_40, %add3A_71 : i32
      "tpu.region"() ({
        %run_scoped3A_73 = tpu.sem_alloc : memref<!tpu.dma_semaphore, #tpu.memory_space<semaphore_mem>>
        %dma_start3A_74 = arith.constant 0 : i32
        %dma_start3A_75 = tpu.memref_slice %arg5[%add3A_72, %dma_start3A_74] : memref<125x80xi32, #tpu.memory_space<vmem>> -> memref<1x80xi32, #tpu.memory_space<vmem>>
        %dma_start3A_76 = tpu.memref_squeeze %dma_start3A_75 : memref<1x80xi32, #tpu.memory_space<vmem>> -> memref<80xi32, #tpu.memory_space<vmem>>
        %dma_start3A_77 = arith.constant 0 : i32
        %dma_start3A_78 = arith.constant 0 : i32
        %dma_start3A_79 = tpu.memref_slice %arg8[%dma_start3A_77, %dma_start3A_78] : memref<10240x128xf32, #tpu.memory_space<vmem_shared>> -> memref<10240x128xf32, #tpu.memory_space<vmem_shared>>
        tpu.enqueue_indirect_dma source(%arg7 : memref<80x128xf32, #tpu.memory_space<vmem>>) target(%dma_start3A_79 : memref<10240x128xf32, #tpu.memory_space<vmem_shared>>) offsets(%dma_start3A_76 : memref<80xi32, #tpu.memory_space<vmem>>) semaphore(%run_scoped3A_73 : memref<!tpu.dma_semaphore, #tpu.memory_space<semaphore_mem>>) {add = true}
        %dma_wait3A_80 = arith.constant 0 : i32
        %dma_wait3A_81 = tpu.memref_slice %arg5[%add3A_72, %dma_wait3A_80] : memref<125x80xi32, #tpu.memory_space<vmem>> -> memref<1x80xi32, #tpu.memory_space<vmem>>
        %dma_wait3A_82 = tpu.memref_squeeze %dma_wait3A_81 : memref<1x80xi32, #tpu.memory_space<vmem>> -> memref<80xi32, #tpu.memory_space<vmem>>
        %dma_wait3A_83 = arith.constant 0 : i32
        %dma_wait3A_84 = arith.constant 0 : i32
        %dma_wait3A_85 = tpu.memref_slice %arg8[%dma_wait3A_83, %dma_wait3A_84] : memref<10240x128xf32, #tpu.memory_space<vmem_shared>> -> memref<10240x128xf32, #tpu.memory_space<vmem_shared>>
        tpu.wait_indirect_dma semaphore(%run_scoped3A_73 : memref<!tpu.dma_semaphore, #tpu.memory_space<semaphore_mem>>) src(%arg7 : memref<80x128xf32, #tpu.memory_space<vmem>>) dst(%dma_wait3A_85 : memref<10240x128xf32, #tpu.memory_space<vmem_shared>>)
        tpu.yield
      }) : () -> ()
    }
    %scan3A_23 = arith.constant 62 : i32
    %dma_wait3A = arith.constant 0 : i32
    %dma_wait3A_24 = arith.constant 0 : i32
    %dma_wait3A_25 = tpu.memref_slice %arg2[%dma_wait3A, %dma_wait3A_24] : memref<320000x128xf32, #tpu.memory_space<hbm>> -> memref<80x128xf32, #tpu.memory_space<hbm>>
    %dma_wait3A_26 = arith.constant 0 : i32
    %dma_wait3A_27 = arith.constant 0 : i32
    %dma_wait3A_28 = tpu.memref_slice %arg2[%dma_wait3A_26, %dma_wait3A_27] : memref<320000x128xf32, #tpu.memory_space<hbm>> -> memref<80x128xf32, #tpu.memory_space<hbm>>
    tpu.wait_dma2 semaphore(%arg9 : memref<!tpu.dma_semaphore, #tpu.memory_space<semaphore_mem>>) src(%dma_wait3A_28 : memref<80x128xf32, #tpu.memory_space<hbm>>) dst(%arg6 : memref<80x128xf32, #tpu.memory_space<vmem>>)
    %run_scoped3A = arith.constant 124 : i32
    "tpu.region"() ({
      %run_scoped3A_36 = tpu.sem_alloc : memref<!tpu.dma_semaphore, #tpu.memory_space<semaphore_mem>>
      %dma_start3A_37 = arith.constant 0 : i32
      %dma_start3A_38 = tpu.memref_slice %arg5[%run_scoped3A, %dma_start3A_37] : memref<125x80xi32, #tpu.memory_space<vmem>> -> memref<1x80xi32, #tpu.memory_space<vmem>>
      %dma_start3A_39 = tpu.memref_squeeze %dma_start3A_38 : memref<1x80xi32, #tpu.memory_space<vmem>> -> memref<80xi32, #tpu.memory_space<vmem>>
      %dma_start3A_40 = arith.constant 0 : i32
      %dma_start3A_41 = arith.constant 0 : i32
      %dma_start3A_42 = tpu.memref_slice %arg8[%dma_start3A_40, %dma_start3A_41] : memref<10240x128xf32, #tpu.memory_space<vmem_shared>> -> memref<10240x128xf32, #tpu.memory_space<vmem_shared>>
      tpu.enqueue_indirect_dma source(%arg6 : memref<80x128xf32, #tpu.memory_space<vmem>>) target(%dma_start3A_42 : memref<10240x128xf32, #tpu.memory_space<vmem_shared>>) offsets(%dma_start3A_39 : memref<80xi32, #tpu.memory_space<vmem>>) semaphore(%run_scoped3A_36 : memref<!tpu.dma_semaphore, #tpu.memory_space<semaphore_mem>>) {add = true}
      %dma_wait3A_43 = arith.constant 0 : i32
      %dma_wait3A_44 = tpu.memref_slice %arg5[%run_scoped3A, %dma_wait3A_43] : memref<125x80xi32, #tpu.memory_space<vmem>> -> memref<1x80xi32, #tpu.memory_space<vmem>>
      %dma_wait3A_45 = tpu.memref_squeeze %dma_wait3A_44 : memref<1x80xi32, #tpu.memory_space<vmem>> -> memref<80xi32, #tpu.memory_space<vmem>>
      %dma_wait3A_46 = arith.constant 0 : i32
      %dma_wait3A_47 = arith.constant 0 : i32
      %dma_wait3A_48 = tpu.memref_slice %arg8[%dma_wait3A_46, %dma_wait3A_47] : memref<10240x128xf32, #tpu.memory_space<vmem_shared>> -> memref<10240x128xf32, #tpu.memory_space<vmem_shared>>
      tpu.wait_indirect_dma semaphore(%run_scoped3A_36 : memref<!tpu.dma_semaphore, #tpu.memory_space<semaphore_mem>>) src(%arg6 : memref<80x128xf32, #tpu.memory_space<vmem>>) dst(%dma_wait3A_48 : memref<10240x128xf32, #tpu.memory_space<vmem_shared>>)
      tpu.yield
    }) : () -> ()
    %barrier3A_29 = arith.constant 0 : index
    tpu.barrier barrier_id(%barrier3A_29)
    %scan3A_30 = arith.constant 0 : i32
    %scan3A_31 = arith.constant 0 : i32
    %scan3A_32 = arith.constant 8 : i32
    %scan3A_33 = arith.addi %scan3A_31, %scan3A_32 : i32
    %scan3A_34 = arith.constant 1 : i32
    scf.for %scan3A_36 = %scan3A_31 to %scan3A_33 step %scan3A_34  : i32 {
      %mul3A_37 = arith.constant 640 : i32
      %mul3A_38 = arith.muli %arg1, %mul3A_37 : i32
      %mul3A_39 = arith.constant 80 : i32
      %mul3A_40 = arith.muli %scan3A_36, %mul3A_39 : i32
      %add3A_41 = arith.addi %mul3A_38, %mul3A_40 : i32
      "tpu.region"() ({
        %run_scoped3A_47 = tpu.sem_alloc : memref<!tpu.dma_semaphore, #tpu.memory_space<semaphore_mem>>
        %dma_start3A_48 = arith.constant 0 : i32
        %dma_start3A_49 = tpu.memref_slice %arg8[%add3A_41, %dma_start3A_48] : memref<10240x128xf32, #tpu.memory_space<vmem_shared>> -> memref<80x128xf32, #tpu.memory_space<vmem_shared>>
        %dma_start3A_50 = arith.constant 0 : i32
        %dma_start3A_51 = tpu.memref_slice %arg8[%add3A_41, %dma_start3A_50] : memref<10240x128xf32, #tpu.memory_space<vmem_shared>> -> memref<80x128xf32, #tpu.memory_space<vmem_shared>>
        tpu.enqueue_dma source(%dma_start3A_51 : memref<80x128xf32, #tpu.memory_space<vmem_shared>>) target(%arg6 : memref<80x128xf32, #tpu.memory_space<vmem>>) target_semaphore(%run_scoped3A_47 : memref<!tpu.dma_semaphore, #tpu.memory_space<semaphore_mem>>)
        %dma_wait3A_52 = arith.constant 0 : i32
        %dma_wait3A_53 = tpu.memref_slice %arg8[%add3A_41, %dma_wait3A_52] : memref<10240x128xf32, #tpu.memory_space<vmem_shared>> -> memref<80x128xf32, #tpu.memory_space<vmem_shared>>
        %dma_wait3A_54 = arith.constant 0 : i32
        %dma_wait3A_55 = tpu.memref_slice %arg8[%add3A_41, %dma_wait3A_54] : memref<10240x128xf32, #tpu.memory_space<vmem_shared>> -> memref<80x128xf32, #tpu.memory_space<vmem_shared>>
        tpu.wait_dma2 semaphore(%run_scoped3A_47 : memref<!tpu.dma_semaphore, #tpu.memory_space<semaphore_mem>>) src(%dma_wait3A_55 : memref<80x128xf32, #tpu.memory_space<vmem_shared>>) dst(%arg6 : memref<80x128xf32, #tpu.memory_space<vmem>>)
        tpu.yield
      }) : () -> ()
      %mul3A_42 = arith.constant 640 : i32
      %mul3A_43 = arith.muli %arg1, %mul3A_42 : i32
      %mul3A_44 = arith.constant 80 : i32
      %mul3A_45 = arith.muli %scan3A_36, %mul3A_44 : i32
      %add3A_46 = arith.addi %mul3A_43, %mul3A_45 : i32
      "tpu.region"() ({
        %run_scoped3A_47 = tpu.sem_alloc : memref<!tpu.dma_semaphore, #tpu.memory_space<semaphore_mem>>
        %dma_start3A_48 = arith.constant 0 : i32
        %dma_start3A_49 = tpu.memref_slice %arg4[%arg0, %add3A_46, %dma_start3A_48] : memref<2x10240x128xf32, #tpu.memory_space<hbm>> -> memref<1x80x128xf32, #tpu.memory_space<hbm>>
        %dma_start3A_50 = tpu.memref_squeeze %dma_start3A_49 : memref<1x80x128xf32, #tpu.memory_space<hbm>> -> memref<80x128xf32, #tpu.memory_space<hbm>>
        %dma_start3A_51 = arith.constant 0 : i32
        %dma_start3A_52 = tpu.memref_slice %arg4[%arg0, %add3A_46, %dma_start3A_51] : memref<2x10240x128xf32, #tpu.memory_space<hbm>> -> memref<1x80x128xf32, #tpu.memory_space<hbm>>
        %dma_start3A_53 = tpu.memref_squeeze %dma_start3A_52 : memref<1x80x128xf32, #tpu.memory_space<hbm>> -> memref<80x128xf32, #tpu.memory_space<hbm>>
        tpu.enqueue_dma source(%arg6 : memref<80x128xf32, #tpu.memory_space<vmem>>) target(%dma_start3A_53 : memref<80x128xf32, #tpu.memory_space<hbm>>) target_semaphore(%run_scoped3A_47 : memref<!tpu.dma_semaphore, #tpu.memory_space<semaphore_mem>>)
        %dma_wait3A_54 = arith.constant 0 : i32
        %dma_wait3A_55 = tpu.memref_slice %arg4[%arg0, %add3A_46, %dma_wait3A_54] : memref<2x10240x128xf32, #tpu.memory_space<hbm>> -> memref<1x80x128xf32, #tpu.memory_space<hbm>>
        %dma_wait3A_56 = tpu.memref_squeeze %dma_wait3A_55 : memref<1x80x128xf32, #tpu.memory_space<hbm>> -> memref<80x128xf32, #tpu.memory_space<hbm>>
        %dma_wait3A_57 = arith.constant 0 : i32
        %dma_wait3A_58 = tpu.memref_slice %arg4[%arg0, %add3A_46, %dma_wait3A_57] : memref<2x10240x128xf32, #tpu.memory_space<hbm>> -> memref<1x80x128xf32, #tpu.memory_space<hbm>>
        %dma_wait3A_59 = tpu.memref_squeeze %dma_wait3A_58 : memref<1x80x128xf32, #tpu.memory_space<hbm>> -> memref<80x128xf32, #tpu.memory_space<hbm>>
        tpu.wait_dma2 semaphore(%run_scoped3A_47 : memref<!tpu.dma_semaphore, #tpu.memory_space<semaphore_mem>>) src(%arg6 : memref<80x128xf32, #tpu.memory_space<vmem>>) dst(%dma_wait3A_59 : memref<80x128xf32, #tpu.memory_space<hbm>>)
        tpu.yield
      }) : () -> ()
    }
    %scan3A_35 = arith.constant 8 : i32
    return
  }
}

#map = affine_map<(d0, d1) -> (0, 0)>
#map1 = affine_map<(d0, d1) -> (0, 0, 0)>
module attributes {stable_mosaic.version = 14 : i64} {
  func.func @_gather_body(%arg0: i32, %arg1: i32, %arg2: memref<10000x128xf32, #tpu.memory_space<hbm>>, %arg3: memref<32x125x80xi32, #tpu.memory_space<hbm>>, %arg4: memref<320000x128xf32, #tpu.memory_space<hbm>>, %arg5: memref<125x80xi32, #tpu.memory_space<vmem>>, %arg6: memref<80x128xf32, #tpu.memory_space<vmem>>, %arg7: memref<80x128xf32, #tpu.memory_space<vmem>>, %arg8: memref<!tpu.dma_semaphore, #tpu.memory_space<semaphore_mem>>, %arg9: memref<!tpu.dma_semaphore, #tpu.memory_space<semaphore_mem>>) attributes {dimension_semantics = [#tpu.dimension_semantics<core_parallel>, #tpu.dimension_semantics<subcore_parallel>], iteration_bounds = array<i64: 2, 16>, scalar_prefetch = 0 : i64, scratch_operands = 5 : i64, tpu.core_type = #tpu.core_type<sc_vector_subcore>, window_params = [{transform_indices = #map}, {transform_indices = #map1}, {transform_indices = #map}]} {
    %mul3A = arith.constant 16 : i32
    %mul3A_0 = arith.muli %arg0, %mul3A : i32
    %add3A = arith.addi %mul3A_0, %arg1 : i32
    %mul3A_1 = arith.constant 10000 : i32
    %mul3A_2 = arith.muli %add3A, %mul3A_1 : i32
    "tpu.region"() ({
      %run_scoped3A = tpu.sem_alloc : memref<!tpu.dma_semaphore, #tpu.memory_space<semaphore_mem>>
      %dma_start3A_20 = arith.constant 0 : i32
      %dma_start3A_21 = arith.constant 0 : i32
      %dma_start3A_22 = tpu.memref_slice %arg3[%add3A, %dma_start3A_20, %dma_start3A_21] : memref<32x125x80xi32, #tpu.memory_space<hbm>> -> memref<1x125x80xi32, #tpu.memory_space<hbm>>
      %dma_start3A_23 = tpu.memref_squeeze %dma_start3A_22 : memref<1x125x80xi32, #tpu.memory_space<hbm>> -> memref<125x80xi32, #tpu.memory_space<hbm>>
      %dma_start3A_24 = arith.constant 0 : i32
      %dma_start3A_25 = arith.constant 0 : i32
      %dma_start3A_26 = tpu.memref_slice %arg3[%add3A, %dma_start3A_24, %dma_start3A_25] : memref<32x125x80xi32, #tpu.memory_space<hbm>> -> memref<1x125x80xi32, #tpu.memory_space<hbm>>
      %dma_start3A_27 = tpu.memref_squeeze %dma_start3A_26 : memref<1x125x80xi32, #tpu.memory_space<hbm>> -> memref<125x80xi32, #tpu.memory_space<hbm>>
      tpu.enqueue_dma source(%dma_start3A_27 : memref<125x80xi32, #tpu.memory_space<hbm>>) target(%arg5 : memref<125x80xi32, #tpu.memory_space<vmem>>) target_semaphore(%run_scoped3A : memref<!tpu.dma_semaphore, #tpu.memory_space<semaphore_mem>>)
      %dma_wait3A_28 = arith.constant 0 : i32
      %dma_wait3A_29 = arith.constant 0 : i32
      %dma_wait3A_30 = tpu.memref_slice %arg3[%add3A, %dma_wait3A_28, %dma_wait3A_29] : memref<32x125x80xi32, #tpu.memory_space<hbm>> -> memref<1x125x80xi32, #tpu.memory_space<hbm>>
      %dma_wait3A_31 = tpu.memref_squeeze %dma_wait3A_30 : memref<1x125x80xi32, #tpu.memory_space<hbm>> -> memref<125x80xi32, #tpu.memory_space<hbm>>
      %dma_wait3A_32 = arith.constant 0 : i32
      %dma_wait3A_33 = arith.constant 0 : i32
      %dma_wait3A_34 = tpu.memref_slice %arg3[%add3A, %dma_wait3A_32, %dma_wait3A_33] : memref<32x125x80xi32, #tpu.memory_space<hbm>> -> memref<1x125x80xi32, #tpu.memory_space<hbm>>
      %dma_wait3A_35 = tpu.memref_squeeze %dma_wait3A_34 : memref<1x125x80xi32, #tpu.memory_space<hbm>> -> memref<125x80xi32, #tpu.memory_space<hbm>>
      tpu.wait_dma2 semaphore(%run_scoped3A : memref<!tpu.dma_semaphore, #tpu.memory_space<semaphore_mem>>) src(%dma_wait3A_35 : memref<125x80xi32, #tpu.memory_space<hbm>>) dst(%arg5 : memref<125x80xi32, #tpu.memory_space<vmem>>)
      tpu.yield
    }) : () -> ()
    %dma_start3A = arith.constant 0 : i32
    %dma_start3A_3 = arith.constant 0 : i32
    %dma_start3A_4 = tpu.memref_slice %arg5[%dma_start3A, %dma_start3A_3] : memref<125x80xi32, #tpu.memory_space<vmem>> -> memref<1x80xi32, #tpu.memory_space<vmem>>
    %dma_start3A_5 = tpu.memref_squeeze %dma_start3A_4 : memref<1x80xi32, #tpu.memory_space<vmem>> -> memref<80xi32, #tpu.memory_space<vmem>>
    %dma_start3A_6 = arith.constant 0 : i32
    %dma_start3A_7 = arith.constant 0 : i32
    %dma_start3A_8 = tpu.memref_slice %arg2[%dma_start3A_6, %dma_start3A_7] : memref<10000x128xf32, #tpu.memory_space<hbm>> -> memref<10000x128xf32, #tpu.memory_space<hbm>>
    tpu.enqueue_indirect_dma source(%dma_start3A_8 : memref<10000x128xf32, #tpu.memory_space<hbm>>) target(%arg6 : memref<80x128xf32, #tpu.memory_space<vmem>>) offsets(%dma_start3A_5 : memref<80xi32, #tpu.memory_space<vmem>>) semaphore(%arg8 : memref<!tpu.dma_semaphore, #tpu.memory_space<semaphore_mem>>)
    %scan3A = arith.constant 0 : i32
    %scan3A_9 = arith.constant 62 : i32
    %scan3A_10 = arith.addi %scan3A, %scan3A_9 : i32
    %scan3A_11 = arith.constant 1 : i32
    scf.for %scan3A_20 = %scan3A to %scan3A_10 step %scan3A_11  : i32 {
      %mul3A_21 = arith.constant 2 : i32
      %mul3A_22 = arith.muli %scan3A_20, %mul3A_21 : i32
      %add3A_23 = arith.constant 0 : i32
      %add3A_24 = arith.addi %add3A_23, %mul3A_22 : i32
      %add3A_25 = arith.constant 1 : i32
      %add3A_26 = arith.addi %add3A_24, %add3A_25 : i32
      %dma_start3A_27 = arith.constant 0 : i32
      %dma_start3A_28 = tpu.memref_slice %arg5[%add3A_26, %dma_start3A_27] : memref<125x80xi32, #tpu.memory_space<vmem>> -> memref<1x80xi32, #tpu.memory_space<vmem>>
      %dma_start3A_29 = tpu.memref_squeeze %dma_start3A_28 : memref<1x80xi32, #tpu.memory_space<vmem>> -> memref<80xi32, #tpu.memory_space<vmem>>
      %dma_start3A_30 = arith.constant 0 : i32
      %dma_start3A_31 = arith.constant 0 : i32
      %dma_start3A_32 = tpu.memref_slice %arg2[%dma_start3A_30, %dma_start3A_31] : memref<10000x128xf32, #tpu.memory_space<hbm>> -> memref<10000x128xf32, #tpu.memory_space<hbm>>
      tpu.enqueue_indirect_dma source(%dma_start3A_32 : memref<10000x128xf32, #tpu.memory_space<hbm>>) target(%arg7 : memref<80x128xf32, #tpu.memory_space<vmem>>) offsets(%dma_start3A_29 : memref<80xi32, #tpu.memory_space<vmem>>) semaphore(%arg9 : memref<!tpu.dma_semaphore, #tpu.memory_space<semaphore_mem>>)
      %dma_wait3A_33 = arith.constant 0 : i32
      %dma_wait3A_34 = arith.constant 0 : i32
      %dma_wait3A_35 = tpu.memref_slice %arg2[%dma_wait3A_33, %dma_wait3A_34] : memref<10000x128xf32, #tpu.memory_space<hbm>> -> memref<80x128xf32, #tpu.memory_space<hbm>>
      %dma_wait3A_36 = arith.constant 0 : i32
      %dma_wait3A_37 = arith.constant 0 : i32
      %dma_wait3A_38 = tpu.memref_slice %arg2[%dma_wait3A_36, %dma_wait3A_37] : memref<10000x128xf32, #tpu.memory_space<hbm>> -> memref<80x128xf32, #tpu.memory_space<hbm>>
      tpu.wait_dma2 semaphore(%arg8 : memref<!tpu.dma_semaphore, #tpu.memory_space<semaphore_mem>>) src(%dma_wait3A_38 : memref<80x128xf32, #tpu.memory_space<hbm>>) dst(%arg6 : memref<80x128xf32, #tpu.memory_space<vmem>>)
      %mul3A_39 = arith.constant 80 : i32
      %mul3A_40 = arith.muli %add3A_24, %mul3A_39 : i32
      %add3A_41 = arith.addi %mul3A_2, %mul3A_40 : i32
      "tpu.region"() ({
        %run_scoped3A = tpu.sem_alloc : memref<!tpu.dma_semaphore, #tpu.memory_space<semaphore_mem>>
        %dma_start3A_61 = arith.constant 0 : i32
        %dma_start3A_62 = tpu.memref_slice %arg4[%add3A_41, %dma_start3A_61] : memref<320000x128xf32, #tpu.memory_space<hbm>> -> memref<80x128xf32, #tpu.memory_space<hbm>>
        %dma_start3A_63 = arith.constant 0 : i32
        %dma_start3A_64 = tpu.memref_slice %arg4[%add3A_41, %dma_start3A_63] : memref<320000x128xf32, #tpu.memory_space<hbm>> -> memref<80x128xf32, #tpu.memory_space<hbm>>
        tpu.enqueue_dma source(%arg6 : memref<80x128xf32, #tpu.memory_space<vmem>>) target(%dma_start3A_64 : memref<80x128xf32, #tpu.memory_space<hbm>>) target_semaphore(%run_scoped3A : memref<!tpu.dma_semaphore, #tpu.memory_space<semaphore_mem>>)
        %dma_wait3A_65 = arith.constant 0 : i32
        %dma_wait3A_66 = tpu.memref_slice %arg4[%add3A_41, %dma_wait3A_65] : memref<320000x128xf32, #tpu.memory_space<hbm>> -> memref<80x128xf32, #tpu.memory_space<hbm>>
        %dma_wait3A_67 = arith.constant 0 : i32
        %dma_wait3A_68 = tpu.memref_slice %arg4[%add3A_41, %dma_wait3A_67] : memref<320000x128xf32, #tpu.memory_space<hbm>> -> memref<80x128xf32, #tpu.memory_space<hbm>>
        tpu.wait_dma2 semaphore(%run_scoped3A : memref<!tpu.dma_semaphore, #tpu.memory_space<semaphore_mem>>) src(%arg6 : memref<80x128xf32, #tpu.memory_space<vmem>>) dst(%dma_wait3A_68 : memref<80x128xf32, #tpu.memory_space<hbm>>)
        tpu.yield
      }) : () -> ()
      %add3A_42 = arith.constant 2 : i32
      %add3A_43 = arith.addi %add3A_24, %add3A_42 : i32
      %dma_start3A_44 = arith.constant 0 : i32
      %dma_start3A_45 = tpu.memref_slice %arg5[%add3A_43, %dma_start3A_44] : memref<125x80xi32, #tpu.memory_space<vmem>> -> memref<1x80xi32, #tpu.memory_space<vmem>>
      %dma_start3A_46 = tpu.memref_squeeze %dma_start3A_45 : memref<1x80xi32, #tpu.memory_space<vmem>> -> memref<80xi32, #tpu.memory_space<vmem>>
      %dma_start3A_47 = arith.constant 0 : i32
      %dma_start3A_48 = arith.constant 0 : i32
      %dma_start3A_49 = tpu.memref_slice %arg2[%dma_start3A_47, %dma_start3A_48] : memref<10000x128xf32, #tpu.memory_space<hbm>> -> memref<10000x128xf32, #tpu.memory_space<hbm>>
      tpu.enqueue_indirect_dma source(%dma_start3A_49 : memref<10000x128xf32, #tpu.memory_space<hbm>>) target(%arg6 : memref<80x128xf32, #tpu.memory_space<vmem>>) offsets(%dma_start3A_46 : memref<80xi32, #tpu.memory_space<vmem>>) semaphore(%arg8 : memref<!tpu.dma_semaphore, #tpu.memory_space<semaphore_mem>>)
      %dma_wait3A_50 = arith.constant 0 : i32
      %dma_wait3A_51 = arith.constant 0 : i32
      %dma_wait3A_52 = tpu.memref_slice %arg2[%dma_wait3A_50, %dma_wait3A_51] : memref<10000x128xf32, #tpu.memory_space<hbm>> -> memref<80x128xf32, #tpu.memory_space<hbm>>
      %dma_wait3A_53 = arith.constant 0 : i32
      %dma_wait3A_54 = arith.constant 0 : i32
      %dma_wait3A_55 = tpu.memref_slice %arg2[%dma_wait3A_53, %dma_wait3A_54] : memref<10000x128xf32, #tpu.memory_space<hbm>> -> memref<80x128xf32, #tpu.memory_space<hbm>>
      tpu.wait_dma2 semaphore(%arg9 : memref<!tpu.dma_semaphore, #tpu.memory_space<semaphore_mem>>) src(%dma_wait3A_55 : memref<80x128xf32, #tpu.memory_space<hbm>>) dst(%arg7 : memref<80x128xf32, #tpu.memory_space<vmem>>)
      %add3A_56 = arith.constant 1 : i32
      %add3A_57 = arith.addi %add3A_24, %add3A_56 : i32
      %mul3A_58 = arith.constant 80 : i32
      %mul3A_59 = arith.muli %add3A_57, %mul3A_58 : i32
      %add3A_60 = arith.addi %mul3A_2, %mul3A_59 : i32
      "tpu.region"() ({
        %run_scoped3A = tpu.sem_alloc : memref<!tpu.dma_semaphore, #tpu.memory_space<semaphore_mem>>
        %dma_start3A_61 = arith.constant 0 : i32
        %dma_start3A_62 = tpu.memref_slice %arg4[%add3A_60, %dma_start3A_61] : memref<320000x128xf32, #tpu.memory_space<hbm>> -> memref<80x128xf32, #tpu.memory_space<hbm>>
        %dma_start3A_63 = arith.constant 0 : i32
        %dma_start3A_64 = tpu.memref_slice %arg4[%add3A_60, %dma_start3A_63] : memref<320000x128xf32, #tpu.memory_space<hbm>> -> memref<80x128xf32, #tpu.memory_space<hbm>>
        tpu.enqueue_dma source(%arg7 : memref<80x128xf32, #tpu.memory_space<vmem>>) target(%dma_start3A_64 : memref<80x128xf32, #tpu.memory_space<hbm>>) target_semaphore(%run_scoped3A : memref<!tpu.dma_semaphore, #tpu.memory_space<semaphore_mem>>)
        %dma_wait3A_65 = arith.constant 0 : i32
        %dma_wait3A_66 = tpu.memref_slice %arg4[%add3A_60, %dma_wait3A_65] : memref<320000x128xf32, #tpu.memory_space<hbm>> -> memref<80x128xf32, #tpu.memory_space<hbm>>
        %dma_wait3A_67 = arith.constant 0 : i32
        %dma_wait3A_68 = tpu.memref_slice %arg4[%add3A_60, %dma_wait3A_67] : memref<320000x128xf32, #tpu.memory_space<hbm>> -> memref<80x128xf32, #tpu.memory_space<hbm>>
        tpu.wait_dma2 semaphore(%run_scoped3A : memref<!tpu.dma_semaphore, #tpu.memory_space<semaphore_mem>>) src(%arg7 : memref<80x128xf32, #tpu.memory_space<vmem>>) dst(%dma_wait3A_68 : memref<80x128xf32, #tpu.memory_space<hbm>>)
        tpu.yield
      }) : () -> ()
    }
    %scan3A_12 = arith.constant 62 : i32
    %dma_wait3A = arith.constant 0 : i32
    %dma_wait3A_13 = arith.constant 0 : i32
    %dma_wait3A_14 = tpu.memref_slice %arg2[%dma_wait3A, %dma_wait3A_13] : memref<10000x128xf32, #tpu.memory_space<hbm>> -> memref<80x128xf32, #tpu.memory_space<hbm>>
    %dma_wait3A_15 = arith.constant 0 : i32
    %dma_wait3A_16 = arith.constant 0 : i32
    %dma_wait3A_17 = tpu.memref_slice %arg2[%dma_wait3A_15, %dma_wait3A_16] : memref<10000x128xf32, #tpu.memory_space<hbm>> -> memref<80x128xf32, #tpu.memory_space<hbm>>
    tpu.wait_dma2 semaphore(%arg8 : memref<!tpu.dma_semaphore, #tpu.memory_space<semaphore_mem>>) src(%dma_wait3A_17 : memref<80x128xf32, #tpu.memory_space<hbm>>) dst(%arg6 : memref<80x128xf32, #tpu.memory_space<vmem>>)
    %add3A_18 = arith.constant 9920 : i32
    %add3A_19 = arith.addi %mul3A_2, %add3A_18 : i32
    "tpu.region"() ({
      %run_scoped3A = tpu.sem_alloc : memref<!tpu.dma_semaphore, #tpu.memory_space<semaphore_mem>>
      %dma_start3A_20 = arith.constant 0 : i32
      %dma_start3A_21 = tpu.memref_slice %arg4[%add3A_19, %dma_start3A_20] : memref<320000x128xf32, #tpu.memory_space<hbm>> -> memref<80x128xf32, #tpu.memory_space<hbm>>
      %dma_start3A_22 = arith.constant 0 : i32
      %dma_start3A_23 = tpu.memref_slice %arg4[%add3A_19, %dma_start3A_22] : memref<320000x128xf32, #tpu.memory_space<hbm>> -> memref<80x128xf32, #tpu.memory_space<hbm>>
      tpu.enqueue_dma source(%arg6 : memref<80x128xf32, #tpu.memory_space<vmem>>) target(%dma_start3A_23 : memref<80x128xf32, #tpu.memory_space<hbm>>) target_semaphore(%run_scoped3A : memref<!tpu.dma_semaphore, #tpu.memory_space<semaphore_mem>>)
      %dma_wait3A_24 = arith.constant 0 : i32
      %dma_wait3A_25 = tpu.memref_slice %arg4[%add3A_19, %dma_wait3A_24] : memref<320000x128xf32, #tpu.memory_space<hbm>> -> memref<80x128xf32, #tpu.memory_space<hbm>>
      %dma_wait3A_26 = arith.constant 0 : i32
      %dma_wait3A_27 = tpu.memref_slice %arg4[%add3A_19, %dma_wait3A_26] : memref<320000x128xf32, #tpu.memory_space<hbm>> -> memref<80x128xf32, #tpu.memory_space<hbm>>
      tpu.wait_dma2 semaphore(%run_scoped3A : memref<!tpu.dma_semaphore, #tpu.memory_space<semaphore_mem>>) src(%arg6 : memref<80x128xf32, #tpu.memory_space<vmem>>) dst(%dma_wait3A_27 : memref<80x128xf32, #tpu.memory_space<hbm>>)
      tpu.yield
    }) : () -> ()
    return
  }
}

module attributes {stable_mosaic.version = 14 : i64} {
  func.func @_matmul_bias_body(%arg0: i32, %arg1: memref<2000x128xf32, #tpu.memory_space<vmem>>, %arg2: memref<128x128xf32, #tpu.memory_space<vmem>>, %arg3: memref<1x128xf32, #tpu.memory_space<vmem>>, %arg4: memref<2000x128xf32, #tpu.memory_space<vmem>>) attributes {dimension_semantics = [#tpu.dimension_semantics<arbitrary>], iteration_bounds = array<i64: 5>, scalar_prefetch = 0 : i64, scratch_operands = 0 : i64, tpu.core_type = #tpu.core_type<tc>, window_params = [{transform_indices = @transform_0, window_bounds = array<i64: 2000, 128>}, {pipeline_mode = #tpu.pipeline_mode<synchronous>, transform_indices = @transform_1, window_bounds = array<i64: 128, 128>}, {pipeline_mode = #tpu.pipeline_mode<synchronous>, transform_indices = @transform_2, window_bounds = array<i64: 1, 128>}, {transform_indices = @transform_3, window_bounds = array<i64: 2000, 128>}]} {
    %get3A = arith.constant 0 : index
    %get3A_0 = arith.constant 0 : index
    %get3A_1 = vector.load %arg1[%get3A, %get3A_0] : memref<2000x128xf32, #tpu.memory_space<vmem>>, vector<2000x128xf32>
    %get3A_2 = arith.constant 0 : index
    %get3A_3 = arith.constant 0 : index
    %get3A_4 = vector.load %arg2[%get3A_2, %get3A_3] : memref<128x128xf32, #tpu.memory_space<vmem>>, vector<128x128xf32>
    %dot_general3A = arith.constant dense<0.000000e+00> : vector<2000x128xf32>
    %dot_general3A_5 = tpu.matmul %get3A_1, %get3A_4, %dot_general3A {dimension_numbers = #tpu.dot_dimension_numbers<[1], [0], [0], [1], [0, 0, 1, 1], [], []>, transpose_lhs_hint = false} : vector<2000x128xf32>, vector<128x128xf32>, vector<2000x128xf32> -> vector<2000x128xf32>
    %get3A_6 = arith.constant 0 : index
    %get3A_7 = arith.constant 0 : index
    %get3A_8 = vector.load %arg3[%get3A_6, %get3A_7] : memref<1x128xf32, #tpu.memory_space<vmem>>, vector<1x128xf32>
    %add3A = vector.broadcast %get3A_8 : vector<1x128xf32> to vector<2000x128xf32>
    %add3A_9 = arith.addf %dot_general3A_5, %add3A : vector<2000x128xf32>
    %swap3A = arith.constant 0 : index
    %swap3A_10 = arith.constant 0 : index
    %swap3A_11 = vector.load %arg4[%swap3A, %swap3A_10] : memref<2000x128xf32, #tpu.memory_space<vmem>>, vector<2000x128xf32>
    tpu.vector_store %arg4[%swap3A, %swap3A_10], %add3A_9 {strides = array<i32>} : memref<2000x128xf32, #tpu.memory_space<vmem>>, vector<2000x128xf32>,
    return
  }
  func.func @transform_0(%arg0: i32) -> (i32, i32) {
    %c0_i32 = arith.constant 0 : i32
    %c0_i32_0 = arith.constant 0 : i32
    return %arg0, %c0_i32 : i32, i32
  }
  func.func @transform_1(%arg0: i32) -> (i32, i32) {
    %c0_i32 = arith.constant 0 : i32
    %c0_i32_0 = arith.constant 0 : i32
    %c0_i32_1 = arith.constant 0 : i32
    return %c0_i32, %c0_i32_0 : i32, i32
  }
  func.func @transform_2(%arg0: i32) -> (i32, i32) {
    %c0_i32 = arith.constant 0 : i32
    %c0_i32_0 = arith.constant 0 : i32
    %c0_i32_1 = arith.constant 0 : i32
    return %c0_i32, %c0_i32_0 : i32, i32
  }
  func.func @transform_3(%arg0: i32) -> (i32, i32) {
    %c0_i32 = arith.constant 0 : i32
    %c0_i32_0 = arith.constant 0 : i32
    return %arg0, %c0_i32 : i32, i32
  }
}

module attributes {stable_mosaic.version = 14 : i64} {
  func.func @_edge_h_body(%arg0: i32, %arg1: memref<8000x128xf32, #tpu.memory_space<vmem>>, %arg2: memref<8000x16xf32, #tpu.memory_space<vmem>>, %arg3: memref<16x128xf32, #tpu.memory_space<vmem>>, %arg4: memref<1x128xf32, #tpu.memory_space<vmem>>, %arg5: memref<8000x128xf32, #tpu.memory_space<vmem>>) attributes {dimension_semantics = [#tpu.dimension_semantics<arbitrary>], iteration_bounds = array<i64: 40>, scalar_prefetch = 0 : i64, scratch_operands = 0 : i64, tpu.core_type = #tpu.core_type<tc>, window_params = [{transform_indices = @transform_0, window_bounds = array<i64: 8000, 128>}, {transform_indices = @transform_1, window_bounds = array<i64: 8000, 16>}, {pipeline_mode = #tpu.pipeline_mode<synchronous>, transform_indices = @transform_2, window_bounds = array<i64: 16, 128>}, {pipeline_mode = #tpu.pipeline_mode<synchronous>, transform_indices = @transform_3, window_bounds = array<i64: 1, 128>}, {transform_indices = @transform_4, window_bounds = array<i64: 8000, 128>}]} {
    %get3A = arith.constant 0 : index
    %get3A_0 = arith.constant 0 : index
    %get3A_1 = vector.load %arg2[%get3A, %get3A_0] : memref<8000x16xf32, #tpu.memory_space<vmem>>, vector<8000x16xf32>
    %get3A_2 = arith.constant 0 : index
    %get3A_3 = arith.constant 0 : index
    %get3A_4 = vector.load %arg3[%get3A_2, %get3A_3] : memref<16x128xf32, #tpu.memory_space<vmem>>, vector<16x128xf32>
    %dot_general3A = arith.constant dense<0.000000e+00> : vector<8000x128xf32>
    %dot_general3A_5 = tpu.matmul %get3A_1, %get3A_4, %dot_general3A {dimension_numbers = #tpu.dot_dimension_numbers<[1], [0], [0], [1], [0, 0, 1, 1], [], []>, transpose_lhs_hint = false} : vector<8000x16xf32>, vector<16x128xf32>, vector<8000x128xf32> -> vector<8000x128xf32>
    %get3A_6 = arith.constant 0 : index
    %get3A_7 = arith.constant 0 : index
    %get3A_8 = vector.load %arg1[%get3A_6, %get3A_7] : memref<8000x128xf32, #tpu.memory_space<vmem>>, vector<8000x128xf32>
    %add3A = arith.addf %get3A_8, %dot_general3A_5 : vector<8000x128xf32>
    %get3A_9 = arith.constant 0 : index
    %get3A_10 = arith.constant 0 : index
    %get3A_11 = vector.load %arg4[%get3A_9, %get3A_10] : memref<1x128xf32, #tpu.memory_space<vmem>>, vector<1x128xf32>
    %add3A_12 = vector.broadcast %get3A_11 : vector<1x128xf32> to vector<8000x128xf32>
    %add3A_13 = arith.addf %add3A, %add3A_12 : vector<8000x128xf32>
    %max3A = arith.constant 0.000000e+00 : f32
    %max3A_14 = vector.broadcast %max3A : f32 to vector<8000x128xf32>
    %max3A_15 = arith.maximumf %add3A_13, %max3A_14 : vector<8000x128xf32>
    %swap3A = arith.constant 0 : index
    %swap3A_16 = arith.constant 0 : index
    %swap3A_17 = vector.load %arg5[%swap3A, %swap3A_16] : memref<8000x128xf32, #tpu.memory_space<vmem>>, vector<8000x128xf32>
    tpu.vector_store %arg5[%swap3A, %swap3A_16], %max3A_15 {strides = array<i32>} : memref<8000x128xf32, #tpu.memory_space<vmem>>, vector<8000x128xf32>,
    return
  }
  func.func @transform_0(%arg0: i32) -> (i32, i32) {
    %c0_i32 = arith.constant 0 : i32
    %c0_i32_0 = arith.constant 0 : i32
    return %arg0, %c0_i32 : i32, i32
  }
  func.func @transform_1(%arg0: i32) -> (i32, i32) {
    %c0_i32 = arith.constant 0 : i32
    %c0_i32_0 = arith.constant 0 : i32
    return %arg0, %c0_i32 : i32, i32
  }
  func.func @transform_2(%arg0: i32) -> (i32, i32) {
    %c0_i32 = arith.constant 0 : i32
    %c0_i32_0 = arith.constant 0 : i32
    %c0_i32_1 = arith.constant 0 : i32
    return %c0_i32, %c0_i32_0 : i32, i32
  }
  func.func @transform_3(%arg0: i32) -> (i32, i32) {
    %c0_i32 = arith.constant 0 : i32
    %c0_i32_0 = arith.constant 0 : i32
    %c0_i32_1 = arith.constant 0 : i32
    return %c0_i32, %c0_i32_0 : i32, i32
  }
  func.func @transform_4(%arg0: i32) -> (i32, i32) {
    %c0_i32 = arith.constant 0 : i32
    %c0_i32_0 = arith.constant 0 : i32
    return %arg0, %c0_i32 : i32, i32
  }
}

module attributes {stable_mosaic.version = 14 : i64} {
  func.func @_update_body(%arg0: i32, %arg1: memref<2000x128xf32, #tpu.memory_space<vmem>>, %arg2: memref<2x2000x128xf32, #tpu.memory_space<vmem>>, %arg3: memref<128x128xf32, #tpu.memory_space<vmem>>, %arg4: memref<128x128xf32, #tpu.memory_space<vmem>>, %arg5: memref<128x128xf32, #tpu.memory_space<vmem>>, %arg6: memref<1x128xf32, #tpu.memory_space<vmem>>, %arg7: memref<128x128xf32, #tpu.memory_space<vmem>>, %arg8: memref<1x128xf32, #tpu.memory_space<vmem>>, %arg9: memref<2000x128xf32, #tpu.memory_space<vmem>>) attributes {dimension_semantics = [#tpu.dimension_semantics<arbitrary>], iteration_bounds = array<i64: 5>, scalar_prefetch = 0 : i64, scratch_operands = 0 : i64, tpu.core_type = #tpu.core_type<tc>, window_params = [{transform_indices = @transform_0, window_bounds = array<i64: 2000, 128>}, {transform_indices = @transform_1, window_bounds = array<i64: 2, 2000, 128>}, {pipeline_mode = #tpu.pipeline_mode<synchronous>, transform_indices = @transform_2, window_bounds = array<i64: 128, 128>}, {pipeline_mode = #tpu.pipeline_mode<synchronous>, transform_indices = @transform_3, window_bounds = array<i64: 128, 128>}, {pipeline_mode = #tpu.pipeline_mode<synchronous>, transform_indices = @transform_4, window_bounds = array<i64: 128, 128>}, {pipeline_mode = #tpu.pipeline_mode<synchronous>, transform_indices = @transform_5, window_bounds = array<i64: 1, 128>}, {pipeline_mode = #tpu.pipeline_mode<synchronous>, transform_indices = @transform_6, window_bounds = array<i64: 128, 128>}, {pipeline_mode = #tpu.pipeline_mode<synchronous>, transform_indices = @transform_7, window_bounds = array<i64: 1, 128>}, {transform_indices = @transform_8, window_bounds = array<i64: 2000, 128>}]} {
    %get3A = arith.constant 0 : index
    %get3A_0 = arith.constant 0 : index
    %get3A_1 = arith.constant 0 : index
    %get3A_2 = vector.load %arg2[%get3A, %get3A_0, %get3A_1] : memref<2x2000x128xf32, #tpu.memory_space<vmem>>, vector<1x2000x128xf32>
    %get3A_3 = vector.shape_cast %get3A_2 : vector<1x2000x128xf32> to vector<2000x128xf32>
    %get3A_4 = arith.constant 1 : index
    %get3A_5 = arith.constant 0 : index
    %get3A_6 = arith.constant 0 : index
    %get3A_7 = vector.load %arg2[%get3A_4, %get3A_5, %get3A_6] : memref<2x2000x128xf32, #tpu.memory_space<vmem>>, vector<1x2000x128xf32>
    %get3A_8 = vector.shape_cast %get3A_7 : vector<1x2000x128xf32> to vector<2000x128xf32>
    %add3A = arith.addf %get3A_3, %get3A_8 : vector<2000x128xf32>
    %get3A_9 = arith.constant 0 : index
    %get3A_10 = arith.constant 0 : index
    %get3A_11 = vector.load %arg3[%get3A_9, %get3A_10] : memref<128x128xf32, #tpu.memory_space<vmem>>, vector<128x128xf32>
    %dot_general3A = arith.constant dense<0.000000e+00> : vector<2000x128xf32>
    %dot_general3A_12 = tpu.matmul %add3A, %get3A_11, %dot_general3A {dimension_numbers = #tpu.dot_dimension_numbers<[1], [0], [0], [1], [0, 0, 1, 1], [], []>, transpose_lhs_hint = false} : vector<2000x128xf32>, vector<128x128xf32>, vector<2000x128xf32> -> vector<2000x128xf32>
    %get3A_13 = arith.constant 0 : index
    %get3A_14 = arith.constant 0 : index
    %get3A_15 = vector.load %arg1[%get3A_13, %get3A_14] : memref<2000x128xf32, #tpu.memory_space<vmem>>, vector<2000x128xf32>
    %get3A_16 = arith.constant 0 : index
    %get3A_17 = arith.constant 0 : index
    %get3A_18 = vector.load %arg4[%get3A_16, %get3A_17] : memref<128x128xf32, #tpu.memory_space<vmem>>, vector<128x128xf32>
    %dot_general3A_19 = arith.constant dense<0.000000e+00> : vector<2000x128xf32>
    %dot_general3A_20 = tpu.matmul %get3A_15, %get3A_18, %dot_general3A_19 {dimension_numbers = #tpu.dot_dimension_numbers<[1], [0], [0], [1], [0, 0, 1, 1], [], []>, transpose_lhs_hint = false} : vector<2000x128xf32>, vector<128x128xf32>, vector<2000x128xf32> -> vector<2000x128xf32>
    %get3A_21 = arith.constant 0 : index
    %get3A_22 = arith.constant 0 : index
    %get3A_23 = vector.load %arg5[%get3A_21, %get3A_22] : memref<128x128xf32, #tpu.memory_space<vmem>>, vector<128x128xf32>
    %dot_general3A_24 = arith.constant dense<0.000000e+00> : vector<2000x128xf32>
    %dot_general3A_25 = tpu.matmul %dot_general3A_12, %get3A_23, %dot_general3A_24 {dimension_numbers = #tpu.dot_dimension_numbers<[1], [0], [0], [1], [0, 0, 1, 1], [], []>, transpose_lhs_hint = false} : vector<2000x128xf32>, vector<128x128xf32>, vector<2000x128xf32> -> vector<2000x128xf32>
    %add3A_26 = arith.addf %dot_general3A_20, %dot_general3A_25 : vector<2000x128xf32>
    %get3A_27 = arith.constant 0 : index
    %get3A_28 = arith.constant 0 : index
    %get3A_29 = vector.load %arg6[%get3A_27, %get3A_28] : memref<1x128xf32, #tpu.memory_space<vmem>>, vector<1x128xf32>
    %add3A_30 = vector.broadcast %get3A_29 : vector<1x128xf32> to vector<2000x128xf32>
    %add3A_31 = arith.addf %add3A_26, %add3A_30 : vector<2000x128xf32>
    %max3A = arith.constant 0.000000e+00 : f32
    %max3A_32 = vector.broadcast %max3A : f32 to vector<2000x128xf32>
    %max3A_33 = arith.maximumf %add3A_31, %max3A_32 : vector<2000x128xf32>
    %get3A_34 = arith.constant 0 : index
    %get3A_35 = arith.constant 0 : index
    %get3A_36 = vector.load %arg7[%get3A_34, %get3A_35] : memref<128x128xf32, #tpu.memory_space<vmem>>, vector<128x128xf32>
    %dot_general3A_37 = arith.constant dense<0.000000e+00> : vector<2000x128xf32>
    %dot_general3A_38 = tpu.matmul %max3A_33, %get3A_36, %dot_general3A_37 {dimension_numbers = #tpu.dot_dimension_numbers<[1], [0], [0], [1], [0, 0, 1, 1], [], []>, transpose_lhs_hint = false} : vector<2000x128xf32>, vector<128x128xf32>, vector<2000x128xf32> -> vector<2000x128xf32>
    %get3A_39 = arith.constant 0 : index
    %get3A_40 = arith.constant 0 : index
    %get3A_41 = vector.load %arg8[%get3A_39, %get3A_40] : memref<1x128xf32, #tpu.memory_space<vmem>>, vector<1x128xf32>
    %add3A_42 = vector.broadcast %get3A_41 : vector<1x128xf32> to vector<2000x128xf32>
    %add3A_43 = arith.addf %dot_general3A_38, %add3A_42 : vector<2000x128xf32>
    %swap3A = arith.constant 0 : index
    %swap3A_44 = arith.constant 0 : index
    %swap3A_45 = vector.load %arg9[%swap3A, %swap3A_44] : memref<2000x128xf32, #tpu.memory_space<vmem>>, vector<2000x128xf32>
    tpu.vector_store %arg9[%swap3A, %swap3A_44], %add3A_43 {strides = array<i32>} : memref<2000x128xf32, #tpu.memory_space<vmem>>, vector<2000x128xf32>,
    return
  }
  func.func @transform_0(%arg0: i32) -> (i32, i32) {
    %c0_i32 = arith.constant 0 : i32
    %c0_i32_0 = arith.constant 0 : i32
    return %arg0, %c0_i32 : i32, i32
  }
  func.func @transform_1(%arg0: i32) -> (i32, i32, i32) {
    %c0_i32 = arith.constant 0 : i32
    %c0_i32_0 = arith.constant 0 : i32
    %c0_i32_1 = arith.constant 0 : i32
    return %c0_i32, %arg0, %c0_i32_0 : i32, i32, i32
  }
  func.func @transform_2(%arg0: i32) -> (i32, i32) {
    %c0_i32 = arith.constant 0 : i32
    %c0_i32_0 = arith.constant 0 : i32
    %c0_i32_1 = arith.constant 0 : i32
    return %c0_i32, %c0_i32_0 : i32, i32
  }
  func.func @transform_3(%arg0: i32) -> (i32, i32) {
    %c0_i32 = arith.constant 0 : i32
    %c0_i32_0 = arith.constant 0 : i32
    %c0_i32_1 = arith.constant 0 : i32
    return %c0_i32, %c0_i32_0 : i32, i32
  }
  func.func @transform_4(%arg0: i32) -> (i32, i32) {
    %c0_i32 = arith.constant 0 : i32
    %c0_i32_0 = arith.constant 0 : i32
    %c0_i32_1 = arith.constant 0 : i32
    return %c0_i32, %c0_i32_0 : i32, i32
  }
  func.func @transform_5(%arg0: i32) -> (i32, i32) {
    %c0_i32 = arith.constant 0 : i32
    %c0_i32_0 = arith.constant 0 : i32
    %c0_i32_1 = arith.constant 0 : i32
    return %c0_i32, %c0_i32_0 : i32, i32
  }
  func.func @transform_6(%arg0: i32) -> (i32, i32) {
    %c0_i32 = arith.constant 0 : i32
    %c0_i32_0 = arith.constant 0 : i32
    %c0_i32_1 = arith.constant 0 : i32
    return %c0_i32, %c0_i32_0 : i32, i32
  }
  func.func @transform_7(%arg0: i32) -> (i32, i32) {
    %c0_i32 = arith.constant 0 : i32
    %c0_i32_0 = arith.constant 0 : i32
    %c0_i32_1 = arith.constant 0 : i32
    return %c0_i32, %c0_i32_0 : i32, i32
  }
  func.func @transform_8(%arg0: i32) -> (i32, i32) {
    %c0_i32 = arith.constant 0 : i32
    %c0_i32_0 = arith.constant 0 : i32
    return %arg0, %c0_i32 : i32, i32
  }
}

</mosaic_0001>

<sc_bundles>
// kernel: kernel.10.cloned.1.call-start
scs
__scs_entry_jumppad:
0x0: {  	(pc) =	sbr.rel $0x88, $3  }
0x1: {  	(tag) =	ssettag $0x0;
	lr =	simm.s32 $0x1  }
0x2: {  	[smem:$0x3F97] =	sst lr;
	_ =	strace $0xD0000000  }
0x3: {  	_ = 	snop  }
0x4: {  	_ = 	snop  }
0x5: {  	_ = 	snop  }
0x6: {  	_ = 	snop  }
0x7: {  	_ = 	snop  }
__scs_overlays_trampoline_lowered:
0x8: {  	[smem:$0x3FA6] =	sst s0  }
0x9: {  	[smem:$0x3FA7] =	sst s1  }
0xa: {  	[smem:$0x3FA8] =	sst s2  }
0xb: {  	[smem:$0x3FA9] =	sst s3  }
0xc: {  	[smem:$0x3FAA] =	sst s4  }
0xd: {  	[smem:$0x3FAB] =	sst s5  }
0xe: {  	[smem:$0x3FAC] =	sst s6  }
0xf: {  	[smem:$0x3FAD] =	sst s7  }
0x10: {  	[smem:$0x3FAE] =	sst s8  }
0x11: {  	[smem:$0x3FAF] =	sst s9;
	s0 =	simm.s32 @!p0 $0x0  }
0x12: {  	s1 =	sld [smem:$0x3F95];
	s0 =	simm.s32 @p0 $0x1  }
0x13: {  	[smem:$0x3FB0] =	sst s0;
	s0 =	simm.s32 @!p1 $0x0  }
0x14: {  	s2 =	sld [smem:$0x3F94];
	s0 =	simm.s32 @p1 $0x1  }
0x15: {  	[smem:$0x3FB1] =	sst s0;
	s0 =	simm.s32 @!p2 $0x0  }
0x16: {  	s3 =	sld [smem:$0x3FDB];
	s0 =	simm.s32 @p2 $0x1  }
0x17: {  	s4 =	simm.s32 $0x1BF5;
	[smem:$0x3FB3] =	sst s0  }
0x18: {  	s0 =	sld [smem:$0x3F96];
	_ =	swait.ge [sflag:s4], $0x0  }
0x19: {  	s7 =	sld [smem:$0x3F97]  }
0x1a: {  	s8 =	sadd.s32 $0xFFFFE003, lr  }
0x1b: {  	s9 =	sadd.s32 $0xFFFFFEF7, lr;
	s5 =	simm.s32 $0xFFFFFFFF;
	p2 =	slt.u32 s8, $0xFFFFF086  }
0x1c: {  	p1 =	slt.u32 s9, $0xF7A;
	s5 =	simm.s32 @!p2 $0x0  }
0x1d: {  	s5 =	simm.s32 @p1 $0x1;
	p0 =	seq.s32 s7, s2  }
0x1e: {  	s7 =	smul.u32 @!p0 $0xF7A, s2;
	p2 =	seq.s32 @!p0 s5, $0x0  }
0x1f: {  	s9 =	smul.u32 $0xF7A, s1;
	s8 =	simm.s32 @!p0 $0x1BF5;
	p2 =	por !p2, p0  }
0x20: {  	[sflag:s8] =	ssyncset.s32 @!p0 $0xFFFFF086;
	s6 =	sadd.s32 @!p0 s3, s7;
	s7 =	simm.s32 @!p0 $0x108  }
0x21: {  	s3 =	sadd.s32 s3, s9;
	s6 =	sadd.s32 @!p0 $0x88, s6;
	s7 =	simm.s32 @p2 $0x1082  }
0x22: {  	[simem:s7], [sflag:s8] =	dma.local @!p0 [hbm:s6], $0xF7A  }
0x23: {  	s9 =	sor.u32 $0xD0000000, s2;
	s6 =	simm.s32 $0x108;
	_ =	swait.ge @!p0 [sflag:s8], $0x0  }
0x24: {  	s3 =	sadd.s32 $0x88, s3;
	s6 =	simm.s32 @!p1 $0x1082;
	[sflag:s4] =	ssyncset.s32 $0xFFFFF086  }
0x25: {  	[simem:s6], [sflag:s4] =	dma.local [hbm:s3], $0xF7A  }
0x26: {  	[smem:$0x3F97] =	sst s1;
	(tag) =	ssettag s2;
	_ =	strace s9  }
0x27: {  	s1 =	sld [smem:$0x3FA7]  }
0x28: {  	s2 =	sld [smem:$0x3FA8]  }
0x29: {  	s4 =	sld [smem:$0x3FAA]  }
0x2a: {  	p0 =	seq.s32 s5, $0x0;
	s5 =	sld [smem:$0x3FAB]  }
0x2b: {  	s6 =	sld [smem:$0x3FAC]  }
0x2c: {  	s7 =	sld [smem:$0x3FAD]  }
0x2d: {  	s3 =	simm.s32 $0x108;
	s8 =	sld [smem:$0x3FAE]  }
0x2e: {  	s3 =	simm.s32 @!p0 $0x1082;
	s9 =	sld [smem:$0x3FAF]  }
0x2f: {  	lr =	sadd.s32 s0, s3;
	s0 =	sld [smem:$0x3FA6]  }
0x30: {  	s3 =	sld [smem:$0x3FA9]  }
0x31: {  	[smem:$0x3FB2] =	sst s10  }
0x32: {  	s10 =	sld [smem:$0x3FB0];
	_ =	sdelay $0x3  }
0x33: {  	p0 =	seq.s32 s10, $0x1;
	s10 =	sld [smem:$0x3FB2];
	_ =	sdelay $0x3  }
0x34: {  	[smem:$0x3FB2] =	sst s10  }
0x35: {  	s10 =	sld [smem:$0x3FB1];
	_ =	sdelay $0x3  }
0x36: {  	p1 =	seq.s32 s10, $0x1;
	s10 =	sld [smem:$0x3FB2];
	_ =	sdelay $0x3  }
0x37: {  	[smem:$0x3FB2] =	sst s10  }
0x38: {  	s10 =	sld [smem:$0x3FB3]  }
0x39: {  	_ = 	snop;
	(pc) =	sbr.ind lr, $3  }
0x3a: {  	_ = 	snop  }
0x3b: {  	_ = 	snop  }
0x3c: {  	p2 =	seq.s32 s10, $0x1;
	s10 =	sld [smem:$0x3FB2]  }
0x3d: {  	_ =	shalt  }
0x3e: {  	_ =	shalt  }
0x3f: {  	_ =	shalt  }
0x40: {  	_ =	shalt  }
0x41: {  	_ =	shalt  }
0x42: {  	_ =	shalt  }
0x43: {  	_ =	shalt  }
0x44: {  	_ =	shalt  }
0x45: {  	_ =	shalt  }
0x46: {  	_ =	shalt  }
0x47: {  	_ =	shalt  }
0x48: {  	_ =	shalt  }
0x49: {  	_ =	shalt  }
0x4a: {  	_ =	shalt  }
0x4b: {  	_ =	shalt  }
0x4c: {  	_ =	shalt  }
0x4d: {  	_ =	shalt  }
0x4e: {  	_ =	shalt  }
0x4f: {  	_ =	shalt  }
0x50: {  	_ =	shalt  }
0x51: {  	_ =	shalt  }
0x52: {  	_ =	shalt  }
0x53: {  	_ =	shalt  }
0x54: {  	_ =	shalt  }
0x55: {  	_ =	shalt  }
0x56: {  	_ =	shalt  }
0x57: {  	_ =	shalt  }
0x58: {  	_ =	shalt  }
0x59: {  	_ =	shalt  }
0x5a: {  	_ =	shalt  }
0x5b: {  	_ =	shalt  }
0x5c: {  	_ =	shalt  }
0x5d: {  	_ =	shalt  }
0x5e: {  	_ =	shalt  }
0x5f: {  	_ =	shalt  }
0x60: {  	_ =	shalt  }
0x61: {  	_ =	shalt  }
0x62: {  	_ =	shalt  }
0x63: {  	_ =	shalt  }
0x64: {  	_ =	shalt  }
0x65: {  	_ =	shalt  }
0x66: {  	_ =	shalt  }
0x67: {  	_ =	shalt  }
0x68: {  	_ =	shalt  }
0x69: {  	_ =	shalt  }
0x6a: {  	_ =	shalt  }
0x6b: {  	_ =	shalt  }
0x6c: {  	_ =	shalt  }
0x6d: {  	_ =	shalt  }
0x6e: {  	_ =	shalt  }
0x6f: {  	_ =	shalt  }
0x70: {  	_ =	shalt  }
0x71: {  	_ =	shalt  }
0x72: {  	_ =	shalt  }
0x73: {  	_ =	shalt  }
0x74: {  	_ =	shalt  }
0x75: {  	_ =	shalt  }
0x76: {  	_ =	shalt  }
0x77: {  	_ =	shalt  }
0x78: {  	_ =	shalt  }
0x79: {  	_ =	shalt  }
0x7a: {  	_ =	shalt  }
0x7b: {  	_ =	shalt  }
0x7c: {  	_ =	shalt  }
0x7d: {  	_ =	shalt  }
0x7e: {  	_ =	shalt  }
0x7f: {  	_ =	shalt  }
0x80: {  	_ =	shalt  }
0x81: {  	_ =	shalt  }
0x82: {  	_ =	shalt  }
0x83: {  	_ =	shalt  }
0x84: {  	_ =	shalt  }
0x85: {  	_ =	shalt  }
0x86: {  	_ =	shalt  }
0x87: {  	_ =	shalt  }
.Lfunc_end0:
.L_simem_size_0:
called_computation.1_lowered:
.L_overlay_start_0:
0x88: {  	s2 =	sld [smem:$0x3FD9]  }
0x89: {  	s3 =	sld [smem:$0x3FFE];
	_ =	sdelay $0x1  }
0x8a: {  	s1 =	srdreg.scid  }
0x8b: {  	s0 =	sand.u32 $0x1, s1  }
0x8c: {  	s16 =	sshll.u32 s0, $0xA;
	s2 =	sadd.s32 s3, s2  }
0x8d: {  	s2 =	sadd.s32 s2, s16  }
0x8e: {  	[smem:$0x3FBE] =	sst s2  }
0x8f: {  	_ = 	snop  }
0x90: {  	(tm) =	ssettm $0x1  }
0x91: {  	s17 =	sld [smem:$0x3FFB];
	_ =	sdelay $0x3  }
0x92: {  	_ =	strace s17  }
0x93: {  	s2 =	sld [smem:$0x3FFC];
	_ =	sdelay $0x3  }
0x94: {  	_ =	strace s2  }
0x95: {  	s2 =	sld [smem:$0x3FFD];
	_ =	sdelay $0x3  }
0x96: {  	_ =	strace s2  }
0x97: {  	_ =	strace $0x8FFFFFFF  }
0x98: {  	s18 =	sld [smem:$0x3FDB];
	_ =	sdelay $0x1  }
0x99: {  	s19 =	simm.s32 $_scs_section_size  }
0x9a: {  	s4 =	simm.s32 $_size__tile_overlayer_lowered;
	s5 =	simm.s32 $_tile_overlayer_lowered  }
0x9b: {  	s22 =	simm.s32 $0x1BFF;
	s21 =	sshll.u32 s5, $0x1;
	s2 =	sadd.s32 s19, s18  }
0x9c: {  	s6 =	simm.s32 $0x0;
	s20 =	sshll.u32 s4, $0x1;
	s4 =	sadd.s32 s21, s2  }
0x9d: {  	[timem:s6], [sflag:s22] =	dma.local [hbm:s4], s20  }
0x9e: {  	_ =	swait.ge [sflag:s22], s20  }
0x9f: {  	s3 =	ssub.s32 $0x0, s20;
	[sflag:s22] =	ssyncset.done $0x0  }
0xa0: {  	[sflag:s22] =	ssyncadd.s32 s3;
	_ =	sdelay $0x1  }
0xa1: {  	s23 =	simm.s32 $0x1B8B  }
0xa2: {  	_ =	swait.ge [sflag:s23], $0x1  }
0xa3: {  	[sflag:s23] =	ssyncset.done $0x0  }
0xa4: {  	s25 =	simm.s32 $0x1B8E;
	s24 =	sld [smem:$0x3FFE];
	[sflag:s23] =	ssyncadd.s32 $0xFFFFFFFF  }
0xa5: {  	s26 =	simm.s32 $execute0_lowered;
	[smem:$0x3FD2] =	sst s25  }
0xa6: {  	s4 =	sshll.u32 s26, $0x1;
	_ =	strace $0x80000049;
	[dreg:$0x1] =	wrdreg $0xFFFFFFFF  }
0xa7: {  	s28 =	simm.s32 $_size_execute0_lowered;
	s2 =	sadd.s32 s2, s4;
	[dreg:$0x0] =	wrdreg $0x0  }
0xa8: {  	s4 =	sshll.u32 s28, $0x1;
	[dreg:$0x2] =	wrdreg s2  }
0xa9: {  	[dreg:$0x3] =	wrdreg s4  }
0xaa: {  	[dreg:$0x4] =	wrdreg $0xC0  }
0xab: {  	_ =	task [dreg:s6], $0x5FFFF  }
0xac: {  	[dreg:$0x1] =	wrdreg $0xFFFFFFFF  }
0xad: {  	[dreg:$0x0] =	wrdreg $0x60  }
0xae: {  	[dreg:$0x2] =	wrdreg s24  }
0xaf: {  	[dreg:$0x3] =	wrdreg $0x90000  }
0xb0: {  	[dreg:$0x4] =	wrdreg $0x9  }
0xb1: {  	_ =	task.clear_ibuf [dreg:s6], $0x5FFFF;
	_ =	strace $0x90000049  }
0xb2: {  	s29 =	simm.s32 $0x9;
	_ =	strace $0x8000004B  }
0xb3: {  	_ =	swait.ge [sflag:s29], $0x1  }
0xb4: {  	[sflag:s29] =	ssyncadd.s32 $0xFFFFFFFF  }
0xb5: {  	_ =	strace $0x9000004B  }
0xb6: {  	_ =	sfence  }
0xb7: {  	s30 =	sld [smem:$0x0];
	_ =	sdelay $0x2  }
0xb8: {  	s31 =	sshll.u32 s1, $0xD;
	s1 =	sshrl.u32 s1, $0x2  }
0xb9: {  	s3 =	sand.u32 $0x4000, s31;
	s1 =	sadd.s32 s1, s30  }
0xba: {  	s0 =	sor.u32 s3, s0;
	s1 =	sshll.u32 s1, $0x11  }
0xbb: {  	s0 =	sor.u32 s1, s0  }
0xbc: {  	s0 =	sadd.s32 $0x8F2B, s0  }
0xbd: {  	[sflag:s0] =	ssyncadd.remote.s32 $0x1  }
0xbe: {  	_ =	sfence.sel $0xFFFF  }
0xbf: {  	[dreg:$0x0] =	wrdreg $0xFFFFFFFF;
	(pc) =	sbr.abs _section_cstart, $3  }
0xc0: {  	[dreg:$0x1] =	wrdreg $0xFFFFFFFF  }
0xc1: {  	_ =	task.clear_ibuf [dreg:s6], $0x2FFFF;
	_ =	strace $0x9FFFFFFF  }
0xc2: {  	(tm) =	ssettm $0x7FFFFFFF  }
0xc3: {  	_ =	shalt  }
tec
execute0_lowered:
.L_overlay_start_1:
0x0: {  	(tag) =	ssettag $0x1  }
0x1: {  	s0 =	rddreg [dreg:$0x0]  }
0x2: {  	s1 =	rddreg [dreg:$0x1];
	s2 =	srdreg.scid;
	s3 =	simm.s32 $0x0  }
0x3: {  	s28 =	stileid.u32;
	s29 =	simm.s32 $0x50;
	s30 =	simm.s32 $0x2  }
0x4: {  	s2 =	sand.u32 $0x1, s2;
	[smem:$0x7FF] =	sst s3;
	s8 =	smul.u32 $0x50000, s28  }
0x5: {  	s20 =	sadd.s32 $0x9EF800, s0;
	s14 =	smul.u32 $0x14000, s28;
	s4 =	sshll.u32 s2, $0x4  }
0x6: {  	_ =	strace $0x8000004A;
	s6 =	ssub.s32 $0x2, s2;
	s15 =	smul.u32 $0x140000, s2  }
0x7: {  	s2 =	smul.u32 $0x271000, s2;
	s4 =	sor.u32 s28, s4;
	s7 =	sshrl.u32 s6, $0x1  }
0x8: {  	s31 =	sshrl.u32 s8, $0x2;
	s16 =	sadd.s32 $0x5000, s14;
	s17 =	sadd.s32 $0x7800, s14  }
0x9: {  	s18 =	sadd.s32 $0xA000, s14;
	s19 =	sadd.s32 $0xC800, s14;
	s21 =	sadd.s32 $0xF000, s14  }
0xa: {  	s22 =	sadd.s32 $0x11800, s14;
	s5 =	sshll.u32 s4, $0xB;
	s4 =	smul.u32 $0x27100, s4  }
0xb: {  	s7 =	ssub.s32 s6, s7;
	s6 =	sadd.s32 s31, s1;
	s9 =	sadd.s32 s16, s1  }
0xc: {  	s10 =	sadd.s32 s17, s1;
	s11 =	sadd.s32 s18, s1;
	s12 =	sadd.s32 s19, s1  }
0xd: {  	s13 =	sadd.s32 s21, s1;
	s23 =	sadd.s32 s15, s14;
	s24 =	sadd.s32 s15, s16  }
0xe: {  	s17 =	sadd.s32 s15, s17;
	s18 =	sadd.s32 s15, s18;
	s25 =	sadd.s32 s15, s19  }
0xf: {  	s21 =	sadd.s32 s15, s21;
	s26 =	sadd.s32 s15, s22;
	s2 =	sadd.s32 s2, s20  }
0x10: {  	s5 =	sadd.s32 s5, s0;
	s0 =	sadd.s32 $0x1A00, s0;
	s23 =	sshrl.u32 s23, $0x3  }
0x11: {  	s31 =	sshrl.u32 s24, $0x3;
	s24 =	smul.u32 $0x27100, s28;
	s5 =	sadd.s32 $0x9DF800, s5  }
0x12: {  	s26 =	sshrl.u32 s26, $0x3;
	s4 =	sadd.s32 s20, s4;
	[dreg:$0x3] =	wrdreg s5  }
0x13: {  	s28 =	simm.s32 $0x1;
	[dreg:$0x4] =	wrdreg s4;
	s5 =	smax.u32 s7, $0x1  }
0x14: {  	s7 =	sor.u32 $0x2800, s14;
	s14 =	sadd.s32 s22, s1;
	s22 =	sadd.s32 s0, s26  }
0x15: {  	s26 =	simm.s32 $0x6800;
	[dreg:$0x5] =	wrdreg s5;
	s8 =	sadd.s32 s7, s1  }
0x16: {  	s4 =	sadd.s32 s15, s7;
	s15 =	sadd.s32 s0, s23;
	s5 =	sshrl.u32 s17, $0x3  }
0x17: {  	s7 =	sshrl.u32 s18, $0x3;
	s17 =	sadd.s32 s0, s31;
	s23 =	sshrl.u32 s25, $0x3  }
0x18: {  	s25 =	sshrl.u32 s21, $0x3;
	s31 =	sadd.s32 s24, s2;
	s24 =	simm.s32 $0x4000  }
0x19: {  	s4 =	sshrl.u32 s4, $0x3;
	s18 =	sadd.s32 s0, s5;
	s19 =	sadd.s32 s0, s7  }
0x1a: {  	s20 =	sadd.s32 s0, s23;
	s21 =	sadd.s32 s0, s25;
	s23 =	sadd.s32 $0xA00, s31  }
0x1b: {  	v0 =	vimm.f32 $0.0e+00;
	s25 =	simm.s32 $0x3;
	s16 =	sadd.s32 s0, s4;
	s0 =	simm.s32 $0x0  }
.LBB2_1:
0x1c: {  	s2 =	simm.s32 $0x70;
	s4 =	simm.s32 $0x3C0  }
.LBB2_2:
0x1d: {  	p0 =	sne.s32 s4, $0x9FC0;
	[tilespmem:s2+$0x4000] =	vst v0  }
0x1e: {  	[tilespmem:s2+$0x3F90] =	vst v0  }
0x1f: {  	[tilespmem:s2+$0x3FA0] =	vst v0  }
.Ltmp0:
0x20: {  	[tilespmem:s2+$0x3FB0] =	vst v0;
	(pc) =	sbr.rel @p0 .LBB2_2-.Ltmp0, $4  }
0x21: {  	[tilespmem:s2+$0x3FC0] =	vst v0  }
0x22: {  	[tilespmem:s2+$0x3FD0] =	vst v0  }
0x23: {  	[tilespmem:s2+$0x3FE0] =	vst v0  }
0x24: {  	[tilespmem:s2+$0x3FF0] =	vst v0;
	s2 =	sshra.s32 s4, $0x2;
	s4 =	sadd.s32 $0x200, s4  }
0x25: {  	[tilespmem:s2+$0x4000] =	vst v0  }
0x26: {  	[tilespmem:s2+$0x3F90] =	vst v0  }
0x27: {  	[tilespmem:s2+$0x3FA0] =	vst v0  }
0x28: {  	[tilespmem:s2+$0x3FB0] =	vst v0  }
0x29: {  	[tilespmem:s2+$0x3FC0] =	vst v0  }
0x2a: {  	[tilespmem:s2+$0x3FD0] =	vst v0  }
0x2b: {  	[tilespmem:s2+$0x3FE0] =	vst v0  }
0x2c: {  	[tilespmem:s2+$0x3FF0] =	vst v0  }
0x2d: {  	[spmem:s6] =	stream.linear.scatter [tilespmem:s24], [sflag:$0x3], $0x2800, $0x38;
	[tilespmem:$0x1D000] =	vst v63  }
0x2e: {  	_ =	swait.ge [sflag:s25], $0x2800  }
0x2f: {  	[sflag:s25] =	ssyncset.done $0x0  }
0x30: {  	[sflag:s25] =	ssyncadd.s32 $0xFFFFD800  }
0x31: {  	[spmem:s8] =	stream.linear.scatter [tilespmem:s24], [sflag:$0x3], $0x2800, $0x38;
	[tilespmem:$0x1D000] =	vst v63  }
0x32: {  	_ =	swait.ge [sflag:s25], $0x2800  }
0x33: {  	[sflag:s25] =	ssyncset.done $0x0  }
0x34: {  	[sflag:s25] =	ssyncadd.s32 $0xFFFFD800  }
0x35: {  	[spmem:s9] =	stream.linear.scatter [tilespmem:s24], [sflag:$0x3], $0x2800, $0x38;
	[tilespmem:$0x1D000] =	vst v63  }
0x36: {  	_ =	swait.ge [sflag:s25], $0x2800  }
0x37: {  	[sflag:s25] =	ssyncset.done $0x0  }
0x38: {  	[sflag:s25] =	ssyncadd.s32 $0xFFFFD800  }
0x39: {  	[spmem:s10] =	stream.linear.scatter [tilespmem:s24], [sflag:$0x3], $0x2800, $0x38;
	[tilespmem:$0x1D000] =	vst v63  }
0x3a: {  	_ =	swait.ge [sflag:s25], $0x2800  }
0x3b: {  	[sflag:s25] =	ssyncset.done $0x0  }
0x3c: {  	[sflag:s25] =	ssyncadd.s32 $0xFFFFD800  }
0x3d: {  	[spmem:s11] =	stream.linear.scatter [tilespmem:s24], [sflag:$0x3], $0x2800, $0x38;
	[tilespmem:$0x1D000] =	vst v63  }
0x3e: {  	_ =	swait.ge [sflag:s25], $0x2800  }
0x3f: {  	[sflag:s25] =	ssyncset.done $0x0  }
0x40: {  	[sflag:s25] =	ssyncadd.s32 $0xFFFFD800  }
0x41: {  	[spmem:s12] =	stream.linear.scatter [tilespmem:s24], [sflag:$0x3], $0x2800, $0x38;
	[tilespmem:$0x1D000] =	vst v63  }
0x42: {  	_ =	swait.ge [sflag:s25], $0x2800  }
0x43: {  	[sflag:s25] =	ssyncset.done $0x0  }
0x44: {  	[sflag:s25] =	ssyncadd.s32 $0xFFFFD800  }
0x45: {  	[spmem:s13] =	stream.linear.scatter [tilespmem:s24], [sflag:$0x3], $0x2800, $0x38;
	[tilespmem:$0x1D000] =	vst v63  }
0x46: {  	_ =	swait.ge [sflag:s25], $0x2800  }
0x47: {  	[sflag:s25] =	ssyncset.done $0x0  }
0x48: {  	[sflag:s25] =	ssyncadd.s32 $0xFFFFD800  }
0x49: {  	[spmem:s14] =	stream.linear.scatter [tilespmem:s24], [sflag:$0x3], $0x2800, $0x38;
	[tilespmem:$0x1D000] =	vst v63  }
0x4a: {  	_ =	swait.ge [sflag:s25], $0x2800  }
0x4b: {  	[sflag:s25] =	ssyncset.done $0x0  }
0x4c: {  	[sflag:s25] =	ssyncadd.s32 $0xFFFFD800  }
0x4d: {  	[bflag:$0x0] =	sbarrier.arrive $0xFFFF  }
0x4e: {  	s5 =	simm.s32 $0x0;
	s4 =	rddreg [dreg:$0x3]  }
0x4f: {  	[tilespmem:s5], [sflag:$0x3] =	stream.linear.gather [hbm4b:s4+s5], $0x3E80, $0x38;
	[tilespmem:$0x1D000] =	vst v63  }
0x50: {  	_ =	swait.ge [sflag:s25], $0x3E80  }
0x51: {  	[sflag:s25] =	ssyncset.done $0x0  }
0x52: {  	s7 =	rddreg [dreg:$0x4];
	[sflag:s25] =	ssyncadd.s32 $0xFFFFC180  }
0x53: {  	[tilespmem:s24], [sflag:$0x1] =	stream.linear.gather [hbm4b:s7+s5], $0x2800, $0x38;
	[tilespmem:$0x1D000] =	vst v63  }
0x54: {  	s4 =	sadd.s32 $0xFFFFFB00, s23  }
0x55: {  	[tilespmem:s26], [sflag:$0x2] =	stream.linear.gather [hbm4b:s4+s3], $0x2800, $0x38;
	[tilespmem:$0x1D000] =	vst v63  }
0x56: {  	_ =	swait.ge [sflag:s28], $0x2800  }
0x57: {  	[sflag:s28] =	ssyncset.done $0x0  }
0x58: {  	s5 =	simm.s32 $0x0;
	[sflag:s28] =	ssyncadd.s32 $0xFFFFD800  }
0x59: {  	[spmem:s1] =	stream.indirect.scatter.add.f32 [tilespmem:s24], [sflag:$0x3], $0x80, s5, s29, $0xb8;
	[tilespmem:$0x1D000] =	vst v63  }
0x5a: {  	_ =	swait.ge [sflag:s25], $0x2800  }
0x5b: {  	[sflag:s25] =	ssyncset.done $0x0  }
0x5c: {  	[sflag:s25] =	ssyncadd.s32 $0xFFFFD800  }
0x5d: {  	[tilespmem:s24], [sflag:$0x1] =	stream.linear.gather [hbm4b:s23+s3], $0x2800, $0x38;
	[tilespmem:$0x1D000] =	vst v63  }
0x5e: {  	_ =	swait.ge [sflag:s30], $0x2800  }
0x5f: {  	[sflag:s30] =	ssyncset.done $0x0  }
0x60: {  	s7 =	simm.s32 $0x80;
	[sflag:s30] =	ssyncadd.s32 $0xFFFFD800  }
0x61: {  	[spmem:s1] =	stream.indirect.scatter.add.f32 [tilespmem:s26], [sflag:$0x3], $0x80, s7, s29, $0xb8;
	[tilespmem:$0x1D000] =	vst v63  }
0x62: {  	s31 =	simm.s32 $0x400;
	_ =	swait.ge [sflag:s25], $0x2800  }
0x63: {  	s2 =	sadd.s32 $0xA00, s23;
	s4 =	simm.s32 $0x800;
	[sflag:s25] =	ssyncset.done $0x0  }
.LBB2_4:
0x64: {  	p0 =	sne.s32 s4, $0xF400;
	s5 =	sadd.s32 $0xFFFFFB00, s2;
	[sflag:s25] =	ssyncadd.s32 $0xFFFFD800  }
0x65: {  	[tilespmem:s26], [sflag:$0x2] =	stream.linear.gather [hbm4b:s5+s3], $0x2800, $0x38;
	[tilespmem:$0x1D000] =	vst v63  }
0x66: {  	s5 =	smov.u32 s4;
	s4 =	sadd.s32 $0x400, s4;
	_ =	swait.ge [sflag:s28], $0x2800  }
0x67: {  	[sflag:s28] =	ssyncset.done $0x0  }
0x68: {  	s7 =	sshra.s32 s31, $0x2;
	s31 =	smov.u32 s5;
	[sflag:s28] =	ssyncadd.s32 $0xFFFFD800  }
0x69: {  	[spmem:s1] =	stream.indirect.scatter.add.f32 [tilespmem:s24], [sflag:$0x3], $0x80, s7, s29, $0xb8;
	[tilespmem:$0x1D000] =	vst v63  }
0x6a: {  	_ =	swait.ge [sflag:s25], $0x2800  }
0x6b: {  	[sflag:s25] =	ssyncset.done $0x0  }
0x6c: {  	[sflag:s25] =	ssyncadd.s32 $0xFFFFD800  }
0x6d: {  	[tilespmem:s24], [sflag:$0x1] =	stream.linear.gather [hbm4b:s2+s3], $0x2800, $0x38;
	[tilespmem:$0x1D000] =	vst v63  }
0x6e: {  	_ =	swait.ge [sflag:s30], $0x2800  }
.Ltmp1:
0x6f: {  	[sflag:s30] =	ssyncset.done $0x0;
	(pc) =	sbr.rel @p0 .LBB2_4-.Ltmp1, $4  }
0x70: {  	s5 =	sadd.s32 $0x80, s7;
	[sflag:s30] =	ssyncadd.s32 $0xFFFFD800  }
0x71: {  	[spmem:s1] =	stream.indirect.scatter.add.f32 [tilespmem:s26], [sflag:$0x3], $0x80, s5, s29, $0xb8;
	[tilespmem:$0x1D000] =	vst v63  }
0x72: {  	_ =	swait.ge [sflag:s25], $0x2800  }
0x73: {  	s2 =	sadd.s32 $0xA00, s2;
	[sflag:s25] =	ssyncset.done $0x0  }
0x74: {  	s4 =	sadd.s32 $0xFFFFFB00, s2;
	[sflag:s25] =	ssyncadd.s32 $0xFFFFD800  }
0x75: {  	[tilespmem:s26], [sflag:$0x2] =	stream.linear.gather [hbm4b:s4+s3], $0x2800, $0x38;
	[tilespmem:$0x1D000] =	vst v63  }
0x76: {  	_ =	swait.ge [sflag:s28], $0x2800  }
0x77: {  	[sflag:s28] =	ssyncset.done $0x0  }
0x78: {  	s31 =	sshra.s32 s31, $0x2;
	[sflag:s28] =	ssyncadd.s32 $0xFFFFD800  }
0x79: {  	[spmem:s1] =	stream.indirect.scatter.add.f32 [tilespmem:s24], [sflag:$0x3], $0x80, s31, s29, $0xb8;
	[tilespmem:$0x1D000] =	vst v63  }
0x7a: {  	_ =	swait.ge [sflag:s25], $0x2800  }
0x7b: {  	[sflag:s25] =	ssyncset.done $0x0  }
0x7c: {  	[sflag:s25] =	ssyncadd.s32 $0xFFFFD800  }
0x7d: {  	[tilespmem:s24], [sflag:$0x1] =	stream.linear.gather [hbm4b:s2+s3], $0x2800, $0x38;
	[tilespmem:$0x1D000] =	vst v63  }
0x7e: {  	_ =	swait.ge [sflag:s30], $0x2800  }
0x7f: {  	[sflag:s30] =	ssyncset.done $0x0  }
0x80: {  	s5 =	sadd.s32 $0x80, s31;
	[sflag:s30] =	ssyncadd.s32 $0xFFFFD800  }
0x81: {  	[spmem:s1] =	stream.indirect.scatter.add.f32 [tilespmem:s26], [sflag:$0x3], $0x80, s5, s29, $0xb8;
	[tilespmem:$0x1D000] =	vst v63  }
0x82: {  	_ =	swait.ge [sflag:s25], $0x2800  }
0x83: {  	[sflag:s25] =	ssyncset.done $0x0  }
0x84: {  	[sflag:s25] =	ssyncadd.s32 $0xFFFFD800  }
0x85: {  	_ =	swait.ge [sflag:s28], $0x2800  }
0x86: {  	[sflag:s28] =	ssyncset.done $0x0  }
0x87: {  	s7 =	simm.s32 $0x3E00;
	[sflag:s28] =	ssyncadd.s32 $0xFFFFD800  }
0x88: {  	[spmem:s1] =	stream.indirect.scatter.add.f32 [tilespmem:s24], [sflag:$0x3], $0x80, s7, s29, $0xb8;
	[tilespmem:$0x1D000] =	vst v63  }
0x89: {  	_ =	swait.ge [sflag:s25], $0x2800  }
0x8a: {  	[sflag:s25] =	ssyncset.done $0x0  }
0x8b: {  	[sflag:s25] =	ssyncadd.s32 $0xFFFFD800  }
0x8c: {  	[bflag:$0x0] =	sbarrier.arrive $0xFFFF  }
0x8d: {  	[tilespmem:s24], [sflag:$0x3] =	stream.linear.gather [spmem:s6], $0x2800, $0x38;
	[tilespmem:$0x1D000] =	vst v63  }
0x8e: {  	_ =	swait.ge [sflag:s25], $0x2800  }
0x8f: {  	[sflag:s25] =	ssyncset.done $0x0  }
0x90: {  	[sflag:s25] =	ssyncadd.s32 $0xFFFFD800  }
0x91: {  	[hbm4b:s15+s3] =	stream.linear.scatter [tilespmem:s24], [sflag:$0x3], $0x2800, $0x38;
	[tilespmem:$0x1D000] =	vst v63  }
0x92: {  	_ =	swait.ge [sflag:s25], $0x2800  }
0x93: {  	[sflag:s25] =	ssyncset.done $0x0  }
0x94: {  	[sflag:s25] =	ssyncadd.s32 $0xFFFFD800  }
0x95: {  	[tilespmem:s24], [sflag:$0x3] =	stream.linear.gather [spmem:s8], $0x2800, $0x38;
	[tilespmem:$0x1D000] =	vst v63  }
0x96: {  	_ =	swait.ge [sflag:s25], $0x2800  }
0x97: {  	[sflag:s25] =	ssyncset.done $0x0  }
0x98: {  	[sflag:s25] =	ssyncadd.s32 $0xFFFFD800  }
0x99: {  	[hbm4b:s16+s3] =	stream.linear.scatter [tilespmem:s24], [sflag:$0x3], $0x2800, $0x38;
	[tilespmem:$0x1D000] =	vst v63  }
0x9a: {  	_ =	swait.ge [sflag:s25], $0x2800  }
0x9b: {  	[sflag:s25] =	ssyncset.done $0x0  }
0x9c: {  	[sflag:s25] =	ssyncadd.s32 $0xFFFFD800  }
0x9d: {  	[tilespmem:s24], [sflag:$0x3] =	stream.linear.gather [spmem:s9], $0x2800, $0x38;
	[tilespmem:$0x1D000] =	vst v63  }
0x9e: {  	_ =	swait.ge [sflag:s25], $0x2800  }
0x9f: {  	[sflag:s25] =	ssyncset.done $0x0  }
0xa0: {  	[sflag:s25] =	ssyncadd.s32 $0xFFFFD800  }
0xa1: {  	[hbm4b:s17+s3] =	stream.linear.scatter [tilespmem:s24], [sflag:$0x3], $0x2800, $0x38;
	[tilespmem:$0x1D000] =	vst v63  }
0xa2: {  	_ =	swait.ge [sflag:s25], $0x2800  }
0xa3: {  	[sflag:s25] =	ssyncset.done $0x0  }
0xa4: {  	[sflag:s25] =	ssyncadd.s32 $0xFFFFD800  }
0xa5: {  	[tilespmem:s24], [sflag:$0x3] =	stream.linear.gather [spmem:s10], $0x2800, $0x38;
	[tilespmem:$0x1D000] =	vst v63  }
0xa6: {  	_ =	swait.ge [sflag:s25], $0x2800  }
0xa7: {  	[sflag:s25] =	ssyncset.done $0x0  }
0xa8: {  	[sflag:s25] =	ssyncadd.s32 $0xFFFFD800  }
0xa9: {  	[hbm4b:s18+s3] =	stream.linear.scatter [tilespmem:s24], [sflag:$0x3], $0x2800, $0x38;
	[tilespmem:$0x1D000] =	vst v63  }
0xaa: {  	_ =	swait.ge [sflag:s25], $0x2800  }
0xab: {  	[sflag:s25] =	ssyncset.done $0x0  }
0xac: {  	[sflag:s25] =	ssyncadd.s32 $0xFFFFD800  }
0xad: {  	[tilespmem:s24], [sflag:$0x3] =	stream.linear.gather [spmem:s11], $0x2800, $0x38;
	[tilespmem:$0x1D000] =	vst v63  }
0xae: {  	_ =	swait.ge [sflag:s25], $0x2800  }
0xaf: {  	[sflag:s25] =	ssyncset.done $0x0  }
0xb0: {  	[sflag:s25] =	ssyncadd.s32 $0xFFFFD800  }
0xb1: {  	[hbm4b:s19+s3] =	stream.linear.scatter [tilespmem:s24], [sflag:$0x3], $0x2800, $0x38;
	[tilespmem:$0x1D000] =	vst v63  }
0xb2: {  	_ =	swait.ge [sflag:s25], $0x2800  }
0xb3: {  	[sflag:s25] =	ssyncset.done $0x0  }
0xb4: {  	[sflag:s25] =	ssyncadd.s32 $0xFFFFD800  }
0xb5: {  	[tilespmem:s24], [sflag:$0x3] =	stream.linear.gather [spmem:s12], $0x2800, $0x38;
	[tilespmem:$0x1D000] =	vst v63  }
0xb6: {  	_ =	swait.ge [sflag:s25], $0x2800  }
0xb7: {  	[sflag:s25] =	ssyncset.done $0x0  }
0xb8: {  	[sflag:s25] =	ssyncadd.s32 $0xFFFFD800  }
0xb9: {  	[hbm4b:s20+s3] =	stream.linear.scatter [tilespmem:s24], [sflag:$0x3], $0x2800, $0x38;
	[tilespmem:$0x1D000] =	vst v63  }
0xba: {  	_ =	swait.ge [sflag:s25], $0x2800  }
0xbb: {  	[sflag:s25] =	ssyncset.done $0x0  }
0xbc: {  	[sflag:s25] =	ssyncadd.s32 $0xFFFFD800  }
0xbd: {  	[tilespmem:s24], [sflag:$0x3] =	stream.linear.gather [spmem:s13], $0x2800, $0x38;
	[tilespmem:$0x1D000] =	vst v63  }
0xbe: {  	_ =	swait.ge [sflag:s25], $0x2800  }
0xbf: {  	[sflag:s25] =	ssyncset.done $0x0  }
0xc0: {  	[sflag:s25] =	ssyncadd.s32 $0xFFFFD800  }
0xc1: {  	[hbm4b:s21+s3] =	stream.linear.scatter [tilespmem:s24], [sflag:$0x3], $0x2800, $0x38;
	[tilespmem:$0x1D000] =	vst v63  }
0xc2: {  	_ =	swait.ge [sflag:s25], $0x2800  }
0xc3: {  	[sflag:s25] =	ssyncset.done $0x0  }
0xc4: {  	[sflag:s25] =	ssyncadd.s32 $0xFFFFD800  }
0xc5: {  	[tilespmem:s24], [sflag:$0x3] =	stream.linear.gather [spmem:s14], $0x2800, $0x38;
	[tilespmem:$0x1D000] =	vst v63  }
0xc6: {  	_ =	swait.ge [sflag:s25], $0x2800  }
0xc7: {  	[sflag:s25] =	ssyncset.done $0x0  }
0xc8: {  	[sflag:s25] =	ssyncadd.s32 $0xFFFFD800  }
0xc9: {  	[hbm4b:s22+s3] =	stream.linear.scatter [tilespmem:s24], [sflag:$0x3], $0x2800, $0x38;
	[tilespmem:$0x1D000] =	vst v63  }
0xca: {  	_ =	swait.ge [sflag:s25], $0x2800  }
0xcb: {  	s0 =	sadd.s32 $0x1, s0;
	s31 =	rddreg [dreg:$0x5]  }
0xcc: {  	p0 =	sne.s32 s0, s31  }
.Ltmp2:
0xcd: {  	_ = 	snop;
	(pc) =	sbr.rel @p0 .LBB2_1-.Ltmp2, $3  }
0xce: {  	_ =	sdelay $0x1  }
0xcf: {  	[sflag:s25] =	ssyncset.done $0x0  }
0xd0: {  	[sflag:s25] =	ssyncadd.s32 $0xFFFFD800  }
0xd1: {  	_ =	sfence.sel $0x180000  }
0xd2: {  	[bflag:$0x0] =	sbarrier.arrive $0xFFFF  }
0xd3: {  	_ =	strace $0x9000004A  }
0xd4: {  	s0 =	stileid.u32;
	[bflag:$0x2] =	sbarrier.arrive $0xFFFF  }
0xd5: {  	p0 =	sne.s32 s0, $0x0;
	s0 =	rddreg [dreg:$0x2]  }
0xd6: {  	s0 =	sadd.s32 @!p0 $0x100000, s0  }
0xd7: {  	[sflag:s0] =	ssyncadd.tile.s32 @!p0 $0x1;
	_ =	shalt  }
.Lfunc_end2:
_tile_overlayer_lowered:
.L_overlay_start_2:
0xd8: {  	(tag) =	ssettag $0x2  }
0xd9: {  	s0 =	rddreg [dreg:$0x0];
	s2 =	stileid.u32  }
0xda: {  	s1 =	rddreg [dreg:$0x1];
	p0 =	sne.s32 s2, $0x0  }
0xdb: {  	s3 =	rddreg [dreg:$0x2];
	[bflag:$0x3] =	sbarrier.arrive $0xFFFF;
	s2 =	simm.s32 @!p0 $0x1C03  }
0xdc: {  	[timem:s3], [sflag:s2] =	dma.local @!p0 [hbm:s0], s1  }
0xdd: {  	s0 =	simm.s32 @!p0 $0x3  }
0xde: {  	_ =	swait.ge @!p0 [sflag:s0], s1  }
0xdf: {  	s1 =	ssub.s32 @!p0 $0x0, s1;
	[sflag:s0] =	ssyncset.done @!p0 $0x0  }
0xe0: {  	[sflag:s0] =	ssyncadd.s32 @!p0 s1  }
0xe1: {  	[bflag:$0x3] =	sbarrier.arrive $0xFFFF  }
0xe2: {  	_ =	shalt  }

// kernel: kernel.7.cloned.1.call-start
scs
__scs_entry_jumppad:
0x0: {  	(pc) =	sbr.rel $0x88, $3  }
0x1: {  	(tag) =	ssettag $0x0;
	lr =	simm.s32 $0x1  }
0x2: {  	[smem:$0x3F97] =	sst lr;
	_ =	strace $0xD0000000  }
0x3: {  	_ = 	snop  }
0x4: {  	_ = 	snop  }
0x5: {  	_ = 	snop  }
0x6: {  	_ = 	snop  }
0x7: {  	_ = 	snop  }
__scs_overlays_trampoline_lowered:
0x8: {  	[smem:$0x3FA6] =	sst s0  }
0x9: {  	[smem:$0x3FA7] =	sst s1  }
0xa: {  	[smem:$0x3FA8] =	sst s2  }
0xb: {  	[smem:$0x3FA9] =	sst s3  }
0xc: {  	[smem:$0x3FAA] =	sst s4  }
0xd: {  	[smem:$0x3FAB] =	sst s5  }
0xe: {  	[smem:$0x3FAC] =	sst s6  }
0xf: {  	[smem:$0x3FAD] =	sst s7  }
0x10: {  	[smem:$0x3FAE] =	sst s8  }
0x11: {  	[smem:$0x3FAF] =	sst s9;
	s0 =	simm.s32 @!p0 $0x0  }
0x12: {  	s1 =	sld [smem:$0x3F95];
	s0 =	simm.s32 @p0 $0x1  }
0x13: {  	[smem:$0x3FB0] =	sst s0;
	s0 =	simm.s32 @!p1 $0x0  }
0x14: {  	s2 =	sld [smem:$0x3F94];
	s0 =	simm.s32 @p1 $0x1  }
0x15: {  	[smem:$0x3FB1] =	sst s0;
	s0 =	simm.s32 @!p2 $0x0  }
0x16: {  	s3 =	sld [smem:$0x3FDB];
	s0 =	simm.s32 @p2 $0x1  }
0x17: {  	s4 =	simm.s32 $0x1BF5;
	[smem:$0x3FB3] =	sst s0  }
0x18: {  	s0 =	sld [smem:$0x3F96];
	_ =	swait.ge [sflag:s4], $0x0  }
0x19: {  	s7 =	sld [smem:$0x3F97]  }
0x1a: {  	s8 =	sadd.s32 $0xFFFFE003, lr  }
0x1b: {  	s9 =	sadd.s32 $0xFFFFFEF7, lr;
	s5 =	simm.s32 $0xFFFFFFFF;
	p2 =	slt.u32 s8, $0xFFFFF086  }
0x1c: {  	p1 =	slt.u32 s9, $0xF7A;
	s5 =	simm.s32 @!p2 $0x0  }
0x1d: {  	s5 =	simm.s32 @p1 $0x1;
	p0 =	seq.s32 s7, s2  }
0x1e: {  	s7 =	smul.u32 @!p0 $0xF7A, s2;
	p2 =	seq.s32 @!p0 s5, $0x0  }
0x1f: {  	s9 =	smul.u32 $0xF7A, s1;
	s8 =	simm.s32 @!p0 $0x1BF5;
	p2 =	por !p2, p0  }
0x20: {  	[sflag:s8] =	ssyncset.s32 @!p0 $0xFFFFF086;
	s6 =	sadd.s32 @!p0 s3, s7;
	s7 =	simm.s32 @!p0 $0x108  }
0x21: {  	s3 =	sadd.s32 s3, s9;
	s6 =	sadd.s32 @!p0 $0x88, s6;
	s7 =	simm.s32 @p2 $0x1082  }
0x22: {  	[simem:s7], [sflag:s8] =	dma.local @!p0 [hbm:s6], $0xF7A  }
0x23: {  	s9 =	sor.u32 $0xD0000000, s2;
	s6 =	simm.s32 $0x108;
	_ =	swait.ge @!p0 [sflag:s8], $0x0  }
0x24: {  	s3 =	sadd.s32 $0x88, s3;
	s6 =	simm.s32 @!p1 $0x1082;
	[sflag:s4] =	ssyncset.s32 $0xFFFFF086  }
0x25: {  	[simem:s6], [sflag:s4] =	dma.local [hbm:s3], $0xF7A  }
0x26: {  	[smem:$0x3F97] =	sst s1;
	(tag) =	ssettag s2;
	_ =	strace s9  }
0x27: {  	s1 =	sld [smem:$0x3FA7]  }
0x28: {  	s2 =	sld [smem:$0x3FA8]  }
0x29: {  	s4 =	sld [smem:$0x3FAA]  }
0x2a: {  	p0 =	seq.s32 s5, $0x0;
	s5 =	sld [smem:$0x3FAB]  }
0x2b: {  	s6 =	sld [smem:$0x3FAC]  }
0x2c: {  	s7 =	sld [smem:$0x3FAD]  }
0x2d: {  	s3 =	simm.s32 $0x108;
	s8 =	sld [smem:$0x3FAE]  }
0x2e: {  	s3 =	simm.s32 @!p0 $0x1082;
	s9 =	sld [smem:$0x3FAF]  }
0x2f: {  	lr =	sadd.s32 s0, s3;
	s0 =	sld [smem:$0x3FA6]  }
0x30: {  	s3 =	sld [smem:$0x3FA9]  }
0x31: {  	[smem:$0x3FB2] =	sst s10  }
0x32: {  	s10 =	sld [smem:$0x3FB0];
	_ =	sdelay $0x3  }
0x33: {  	p0 =	seq.s32 s10, $0x1;
	s10 =	sld [smem:$0x3FB2];
	_ =	sdelay $0x3  }
0x34: {  	[smem:$0x3FB2] =	sst s10  }
0x35: {  	s10 =	sld [smem:$0x3FB1];
	_ =	sdelay $0x3  }
0x36: {  	p1 =	seq.s32 s10, $0x1;
	s10 =	sld [smem:$0x3FB2];
	_ =	sdelay $0x3  }
0x37: {  	[smem:$0x3FB2] =	sst s10  }
0x38: {  	s10 =	sld [smem:$0x3FB3]  }
0x39: {  	_ = 	snop;
	(pc) =	sbr.ind lr, $3  }
0x3a: {  	_ = 	snop  }
0x3b: {  	_ = 	snop  }
0x3c: {  	p2 =	seq.s32 s10, $0x1;
	s10 =	sld [smem:$0x3FB2]  }
0x3d: {  	_ =	shalt  }
0x3e: {  	_ =	shalt  }
0x3f: {  	_ =	shalt  }
0x40: {  	_ =	shalt  }
0x41: {  	_ =	shalt  }
0x42: {  	_ =	shalt  }
0x43: {  	_ =	shalt  }
0x44: {  	_ =	shalt  }
0x45: {  	_ =	shalt  }
0x46: {  	_ =	shalt  }
0x47: {  	_ =	shalt  }
0x48: {  	_ =	shalt  }
0x49: {  	_ =	shalt  }
0x4a: {  	_ =	shalt  }
0x4b: {  	_ =	shalt  }
0x4c: {  	_ =	shalt  }
0x4d: {  	_ =	shalt  }
0x4e: {  	_ =	shalt  }
0x4f: {  	_ =	shalt  }
0x50: {  	_ =	shalt  }
0x51: {  	_ =	shalt  }
0x52: {  	_ =	shalt  }
0x53: {  	_ =	shalt  }
0x54: {  	_ =	shalt  }
0x55: {  	_ =	shalt  }
0x56: {  	_ =	shalt  }
0x57: {  	_ =	shalt  }
0x58: {  	_ =	shalt  }
0x59: {  	_ =	shalt  }
0x5a: {  	_ =	shalt  }
0x5b: {  	_ =	shalt  }
0x5c: {  	_ =	shalt  }
0x5d: {  	_ =	shalt  }
0x5e: {  	_ =	shalt  }
0x5f: {  	_ =	shalt  }
0x60: {  	_ =	shalt  }
0x61: {  	_ =	shalt  }
0x62: {  	_ =	shalt  }
0x63: {  	_ =	shalt  }
0x64: {  	_ =	shalt  }
0x65: {  	_ =	shalt  }
0x66: {  	_ =	shalt  }
0x67: {  	_ =	shalt  }
0x68: {  	_ =	shalt  }
0x69: {  	_ =	shalt  }
0x6a: {  	_ =	shalt  }
0x6b: {  	_ =	shalt  }
0x6c: {  	_ =	shalt  }
0x6d: {  	_ =	shalt  }
0x6e: {  	_ =	shalt  }
0x6f: {  	_ =	shalt  }
0x70: {  	_ =	shalt  }
0x71: {  	_ =	shalt  }
0x72: {  	_ =	shalt  }
0x73: {  	_ =	shalt  }
0x74: {  	_ =	shalt  }
0x75: {  	_ =	shalt  }
0x76: {  	_ =	shalt  }
0x77: {  	_ =	shalt  }
0x78: {  	_ =	shalt  }
0x79: {  	_ =	shalt  }
0x7a: {  	_ =	shalt  }
0x7b: {  	_ =	shalt  }
0x7c: {  	_ =	shalt  }
0x7d: {  	_ =	shalt  }
0x7e: {  	_ =	shalt  }
0x7f: {  	_ =	shalt  }
0x80: {  	_ =	shalt  }
0x81: {  	_ =	shalt  }
0x82: {  	_ =	shalt  }
0x83: {  	_ =	shalt  }
0x84: {  	_ =	shalt  }
0x85: {  	_ =	shalt  }
0x86: {  	_ =	shalt  }
0x87: {  	_ =	shalt  }
.Lfunc_end0:
.L_simem_size_0:
called_computation_lowered:
.L_overlay_start_0:
0x88: {  	s2 =	sld [smem:$0x3FD9]  }
0x89: {  	s3 =	sld [smem:$0x3FFE];
	_ =	sdelay $0x1  }
0x8a: {  	s1 =	srdreg.scid  }
0x8b: {  	s0 =	sand.u32 $0x1, s1  }
0x8c: {  	s17 =	sshll.u32 s0, $0xA;
	s2 =	sadd.s32 s3, s2  }
0x8d: {  	s2 =	sadd.s32 s2, s17  }
0x8e: {  	[smem:$0x3FBE] =	sst s2  }
0x8f: {  	_ = 	snop  }
0x90: {  	s2 =	sld [smem:$0x3FD0];
	(tm) =	ssettm $0x1  }
0x91: {  	s18 =	sld [smem:$0x3FFB];
	_ =	sdelay $0x3  }
0x92: {  	_ =	strace s18  }
0x93: {  	s3 =	sld [smem:$0x3FFC];
	_ =	sdelay $0x3  }
0x94: {  	_ =	strace s3  }
0x95: {  	s3 =	sld [smem:$0x3FFD];
	_ =	sdelay $0x3  }
0x96: {  	_ =	strace s3  }
0x97: {  	_ =	strace $0x8FFFFFFF  }
0x98: {  	s19 =	sld [smem:$0x3FDB];
	_ =	sdelay $0x1  }
0x99: {  	s4 =	simm.s32 $_scs_section_size  }
0x9a: {  	s5 =	simm.s32 $_size__tile_overlayer_lowered;
	s6 =	simm.s32 $_tile_overlayer_lowered  }
0x9b: {  	s22 =	simm.s32 $0x1BFF;
	s21 =	sshll.u32 s6, $0x1;
	s3 =	sadd.s32 s4, s19  }
0x9c: {  	s7 =	simm.s32 $0x0;
	s20 =	sshll.u32 s5, $0x1;
	s5 =	sadd.s32 s21, s3  }
0x9d: {  	[timem:s7], [sflag:s22] =	dma.local [hbm:s5], s20  }
0x9e: {  	_ =	swait.ge [sflag:s22], s20  }
0x9f: {  	s4 =	ssub.s32 $0x0, s20;
	[sflag:s22] =	ssyncset.done $0x0  }
0xa0: {  	[sflag:s22] =	ssyncadd.s32 s4;
	_ =	sdelay $0x1  }
0xa1: {  	s23 =	simm.s32 $0x1B8B  }
0xa2: {  	_ =	swait.ge [sflag:s23], $0x1  }
0xa3: {  	[sflag:s23] =	ssyncset.done $0x0  }
0xa4: {  	s25 =	simm.s32 $0x1B8E;
	s24 =	sld [smem:$0x3FFE];
	[sflag:s23] =	ssyncadd.s32 $0xFFFFFFFF  }
0xa5: {  	s26 =	simm.s32 $execute0_lowered;
	[smem:$0x3FD2] =	sst s25  }
0xa6: {  	s5 =	sshll.u32 s26, $0x1;
	_ =	strace $0x80000046;
	[dreg:$0x1] =	wrdreg $0xFFFFFFFF  }
0xa7: {  	s28 =	simm.s32 $_size_execute0_lowered;
	s3 =	sadd.s32 s3, s5;
	[dreg:$0x0] =	wrdreg $0x0  }
0xa8: {  	s5 =	sshll.u32 s28, $0x1;
	[dreg:$0x2] =	wrdreg s3  }
0xa9: {  	[dreg:$0x3] =	wrdreg s5  }
0xaa: {  	[dreg:$0x4] =	wrdreg $0xC0  }
0xab: {  	_ =	task [dreg:s7], $0x5FFFF  }
0xac: {  	[dreg:$0x1] =	wrdreg $0xFFFFFFFF  }
0xad: {  	[dreg:$0x0] =	wrdreg $0x60  }
0xae: {  	[dreg:$0x2] =	wrdreg s2  }
0xaf: {  	[dreg:$0x3] =	wrdreg s24  }
0xb0: {  	[dreg:$0x4] =	wrdreg $0x9  }
0xb1: {  	_ =	task.clear_ibuf [dreg:s7], $0x5FFFF;
	_ =	strace $0x90000046  }
0xb2: {  	s29 =	simm.s32 $0x9;
	_ =	strace $0x80000048  }
0xb3: {  	_ =	swait.ge [sflag:s29], $0x1  }
0xb4: {  	[sflag:s29] =	ssyncadd.s32 $0xFFFFFFFF  }
0xb5: {  	_ =	strace $0x90000048  }
0xb6: {  	_ =	sfence  }
0xb7: {  	s30 =	sld [smem:$0x0];
	_ =	sdelay $0x2  }
0xb8: {  	s31 =	sshll.u32 s1, $0xD;
	s1 =	sshrl.u32 s1, $0x2  }
0xb9: {  	s3 =	sand.u32 $0x4000, s31;
	s1 =	sadd.s32 s1, s30  }
0xba: {  	s0 =	sor.u32 s3, s0;
	s1 =	sshll.u32 s1, $0x11  }
0xbb: {  	s0 =	sor.u32 s1, s0  }
0xbc: {  	s0 =	sadd.s32 $0x8F2B, s0  }
0xbd: {  	[sflag:s0] =	ssyncadd.remote.s32 $0x1  }
0xbe: {  	_ =	sfence.sel $0xFFFF  }
0xbf: {  	[dreg:$0x0] =	wrdreg $0xFFFFFFFF;
	(pc) =	sbr.abs _section_cstart, $3  }
0xc0: {  	[dreg:$0x1] =	wrdreg $0xFFFFFFFF  }
0xc1: {  	_ =	task.clear_ibuf [dreg:s7], $0x2FFFF;
	_ =	strace $0x9FFFFFFF  }
0xc2: {  	(tm) =	ssettm $0x7FFFFFFF  }
0xc3: {  	_ =	shalt  }
tec
execute0_lowered:
.L_overlay_start_1:
0x0: {  	(tag) =	ssettag $0x1  }
0x1: {  	s1 =	rddreg [dreg:$0x0]  }
0x2: {  	s4 =	rddreg [dreg:$0x1]  }
0x3: {  	s2 =	srdreg.scid;
	s0 =	rddreg [dreg:$0x2]  }
0x4: {  	s3 =	simm.s32 $0x0;
	s12 =	simm.s32 $0x1;
	s13 =	simm.s32 $0x2  }
0x5: {  	s14 =	simm.s32 $0x0;
	s5 =	sand.u32 $0x1, s2;
	[smem:$0x7FF] =	sst s3  }
0x6: {  	s2 =	stileid.u32;
	s8 =	sadd.s32 $0x1B800, s4;
	s6 =	sshll.u32 s5, $0x4  }
0x7: {  	_ =	strace $0x80000047;
	s29 =	ssub.s32 $0x2, s5;
	s10 =	smul.u32 $0x271000, s5  }
0x8: {  	s11 =	smul.u32 $0x27100, s2;
	s6 =	sor.u32 s2, s6;
	s9 =	sshrl.u32 s29, $0x1  }
0x9: {  	s7 =	sshll.u32 s6, $0xB;
	s6 =	smul.u32 $0x138800, s6;
	s9 =	ssub.s32 s29, s9  }
0xa: {  	s31 =	sadd.s32 s10, s8;
	s10 =	simm.s32 $0x4000;
	s7 =	sadd.s32 s7, s4  }
0xb: {  	s6 =	sshrl.u32 s6, $0x3;
	s4 =	sadd.s32 $0xB800, s7;
	s7 =	sadd.s32 s11, s31  }
0xc: {  	s11 =	simm.s32 $0x6800;
	s30 =	sadd.s32 s8, s6;
	s6 =	smax.u32 s9, $0x1  }
0xd: {  	s8 =	simm.s32 $0x3;
	s9 =	simm.s32 $0x50;
	s5 =	sadd.s32 $0x26C00, s30  }
.LBB2_1:
0xe: {  	[tilespmem:s3], [sflag:$0x3] =	stream.linear.gather [hbm4b:s4+s3], $0x3E80, $0x38;
	[tilespmem:$0x9000] =	vst v63  }
0xf: {  	_ =	swait.ge [sflag:s8], $0x3E80  }
0x10: {  	[sflag:s8] =	ssyncset.done $0x0  }
0x11: {  	[sflag:s8] =	ssyncadd.s32 $0xFFFFC180  }
0x12: {  	[tilespmem:s10], [sflag:$0x1] =	stream.indirect.gather [hbm4b:s1+s9], $0x80, s3, s9, $0xb8;
	[tilespmem:$0x9000] =	vst v63  }
0x13: {  	s15 =	simm.s32 $0x80  }
0x14: {  	[tilespmem:s11], [sflag:$0x2] =	stream.indirect.gather [hbm4b:s1+s9], $0x80, s15, s9, $0xb8;
	[tilespmem:$0x9000] =	vst v63  }
0x15: {  	_ =	swait.ge [sflag:s12], $0x2800  }
0x16: {  	[sflag:s12] =	ssyncset.done $0x0  }
0x17: {  	s31 =	sadd.s32 $0x0, s7;
	[sflag:s12] =	ssyncadd.s32 $0xFFFFD800  }
0x18: {  	[hbm4b:s31+s3] =	stream.linear.scatter [tilespmem:s10], [sflag:$0x3], $0x2800, $0x38;
	[tilespmem:$0x9000] =	vst v63  }
0x19: {  	_ =	swait.ge [sflag:s8], $0x2800  }
0x1a: {  	[sflag:s8] =	ssyncset.done $0x0  }
0x1b: {  	s16 =	simm.s32 $0x100;
	[sflag:s8] =	ssyncadd.s32 $0xFFFFD800  }
0x1c: {  	[tilespmem:s10], [sflag:$0x1] =	stream.indirect.gather [hbm4b:s1+s9], $0x80, s16, s9, $0xb8;
	[tilespmem:$0x9000] =	vst v63  }
0x1d: {  	_ =	swait.ge [sflag:s13], $0x2800  }
0x1e: {  	[sflag:s13] =	ssyncset.done $0x0  }
0x1f: {  	s15 =	sadd.s32 $0x500, s31;
	[sflag:s13] =	ssyncadd.s32 $0xFFFFD800  }
0x20: {  	[hbm4b:s15+s3] =	stream.linear.scatter [tilespmem:s11], [sflag:$0x3], $0x2800, $0x38;
	[tilespmem:$0x9000] =	vst v63  }
0x21: {  	s17 =	simm.s32 $0x1400;
	_ =	swait.ge [sflag:s8], $0x2800  }
0x22: {  	s16 =	simm.s32 $0xA00;
	s15 =	simm.s32 $0x200;
	[sflag:s8] =	ssyncset.done $0x0  }
.LBB2_2:
0x23: {  	p0 =	sne.s32 s17, $0x26200;
	s18 =	sadd.s32 $0xFFFFFF80, s15;
	[sflag:s8] =	ssyncadd.s32 $0xFFFFD800  }
0x24: {  	[tilespmem:s11], [sflag:$0x2] =	stream.indirect.gather [hbm4b:s1+s9], $0x80, s18, s9, $0xb8;
	[tilespmem:$0x9000] =	vst v63  }
0x25: {  	s18 =	smov.u32 s17;
	s17 =	sadd.s32 $0xA00, s17;
	_ =	swait.ge [sflag:s12], $0x2800  }
0x26: {  	[sflag:s12] =	ssyncset.done $0x0  }
0x27: {  	s19 =	sadd.s32 s16, s7;
	s16 =	smov.u32 s18;
	[sflag:s12] =	ssyncadd.s32 $0xFFFFD800  }
0x28: {  	[hbm4b:s19+s3] =	stream.linear.scatter [tilespmem:s10], [sflag:$0x3], $0x2800, $0x38;
	[tilespmem:$0x9000] =	vst v63  }
0x29: {  	_ =	swait.ge [sflag:s8], $0x2800  }
0x2a: {  	[sflag:s8] =	ssyncset.done $0x0  }
0x2b: {  	[sflag:s8] =	ssyncadd.s32 $0xFFFFD800  }
0x2c: {  	[tilespmem:s10], [sflag:$0x1] =	stream.indirect.gather [hbm4b:s1+s9], $0x80, s15, s9, $0xb8;
	[tilespmem:$0x9000] =	vst v63  }
0x2d: {  	_ =	swait.ge [sflag:s13], $0x2800  }
.Ltmp0:
0x2e: {  	[sflag:s13] =	ssyncset.done $0x0;
	(pc) =	sbr.rel @p0 .LBB2_2-.Ltmp0, $4  }
0x2f: {  	s18 =	sadd.s32 $0x500, s19;
	[sflag:s13] =	ssyncadd.s32 $0xFFFFD800  }
0x30: {  	[hbm4b:s18+s3] =	stream.linear.scatter [tilespmem:s11], [sflag:$0x3], $0x2800, $0x38;
	[tilespmem:$0x9000] =	vst v63  }
0x31: {  	_ =	swait.ge [sflag:s8], $0x2800  }
0x32: {  	s15 =	sadd.s32 $0x100, s15;
	[sflag:s8] =	ssyncset.done $0x0  }
0x33: {  	s17 =	sadd.s32 $0xFFFFFF80, s15;
	[sflag:s8] =	ssyncadd.s32 $0xFFFFD800  }
0x34: {  	[tilespmem:s11], [sflag:$0x2] =	stream.indirect.gather [hbm4b:s1+s9], $0x80, s17, s9, $0xb8;
	[tilespmem:$0x9000] =	vst v63  }
0x35: {  	_ =	swait.ge [sflag:s12], $0x2800  }
0x36: {  	[sflag:s12] =	ssyncset.done $0x0  }
0x37: {  	s16 =	sadd.s32 s16, s7;
	[sflag:s12] =	ssyncadd.s32 $0xFFFFD800  }
0x38: {  	[hbm4b:s16+s3] =	stream.linear.scatter [tilespmem:s10], [sflag:$0x3], $0x2800, $0x38;
	[tilespmem:$0x9000] =	vst v63  }
0x39: {  	_ =	swait.ge [sflag:s8], $0x2800  }
0x3a: {  	[sflag:s8] =	ssyncset.done $0x0  }
0x3b: {  	[sflag:s8] =	ssyncadd.s32 $0xFFFFD800  }
0x3c: {  	[tilespmem:s10], [sflag:$0x1] =	stream.indirect.gather [hbm4b:s1+s9], $0x80, s15, s9, $0xb8;
	[tilespmem:$0x9000] =	vst v63  }
0x3d: {  	_ =	swait.ge [sflag:s13], $0x2800  }
0x3e: {  	[sflag:s13] =	ssyncset.done $0x0  }
0x3f: {  	s31 =	sadd.s32 $0x500, s16;
	[sflag:s13] =	ssyncadd.s32 $0xFFFFD800  }
0x40: {  	[hbm4b:s31+s3] =	stream.linear.scatter [tilespmem:s11], [sflag:$0x3], $0x2800, $0x38;
	[tilespmem:$0x9000] =	vst v63  }
0x41: {  	_ =	swait.ge [sflag:s8], $0x2800  }
0x42: {  	[sflag:s8] =	ssyncset.done $0x0  }
0x43: {  	[sflag:s8] =	ssyncadd.s32 $0xFFFFD800  }
0x44: {  	s14 =	sadd.s32 $0x1, s14;
	_ =	swait.ge [sflag:s12], $0x2800  }
0x45: {  	p0 =	sne.s32 s14, s6;
	[sflag:s12] =	ssyncset.done $0x0  }
.Ltmp1:
0x46: {  	[sflag:s12] =	ssyncadd.s32 $0xFFFFD800;
	(pc) =	sbr.rel @p0 .LBB2_1-.Ltmp1, $4  }
0x47: {  	[hbm4b:s5+s3] =	stream.linear.scatter [tilespmem:s10], [sflag:$0x3], $0x2800, $0x38;
	[tilespmem:$0x9000] =	vst v63  }
0x48: {  	_ =	swait.ge [sflag:s8], $0x2800  }
0x49: {  	[sflag:s8] =	ssyncset.done $0x0  }
0x4a: {  	[sflag:s8] =	ssyncadd.s32 $0xFFFFD800  }
0x4b: {  	_ =	sfence.sel $0x180000  }
0x4c: {  	[bflag:$0x0] =	sbarrier.arrive $0xFFFF  }
0x4d: {  	p0 =	sne.s32 s2, $0x0;
	_ =	strace $0x90000047  }
0x4e: {  	s0 =	sadd.s32 @!p0 $0x100000, s0;
	[bflag:$0x2] =	sbarrier.arrive $0xFFFF  }
0x4f: {  	[sflag:s0] =	ssyncadd.tile.s32 @!p0 $0x1;
	_ =	shalt  }
.Lfunc_end2:
_tile_overlayer_lowered:
.L_overlay_start_2:
0x50: {  	(tag) =	ssettag $0x2  }
0x51: {  	s0 =	rddreg [dreg:$0x0];
	s2 =	stileid.u32  }
0x52: {  	s1 =	rddreg [dreg:$0x1];
	p0 =	sne.s32 s2, $0x0  }
0x53: {  	s3 =	rddreg [dreg:$0x2];
	[bflag:$0x3] =	sbarrier.arrive $0xFFFF;
	s2 =	simm.s32 @!p0 $0x1C03  }
0x54: {  	[timem:s3], [sflag:s2] =	dma.local @!p0 [hbm:s0], s1  }
0x55: {  	s0 =	simm.s32 @!p0 $0x3  }
0x56: {  	_ =	swait.ge @!p0 [sflag:s0], s1  }
0x57: {  	s1 =	ssub.s32 @!p0 $0x0, s1;
	[sflag:s0] =	ssyncset.done @!p0 $0x0  }
0x58: {  	[sflag:s0] =	ssyncadd.s32 @!p0 s1  }
0x59: {  	[bflag:$0x3] =	sbarrier.arrive $0xFFFF  }
0x5a: {  	_ =	shalt  }

</sc_bundles>
